<compile_context>
chip_gen: v7x
topology: tpu7x:2x2x1
jax: 0.10.2.dev20260603
libtpu: 0.0.44.dev20260713+nightly
codegen_flags: <defaults>
</compile_context>

<pallas_src>
import functools

import jax
import jax.numpy as jnp
from jax import lax
from jax.experimental import pallas as pl
from jax.experimental.pallas import tpu as pltpu
from jax.experimental.pallas import tpu_sc as plsc

N = 10000
E = 320000
HID = 128
C = 40

NC = 2
NS = 16
NW = NC * NS

CHUNK = 128
CPW0 = 96
CPW1 = 62
NCH = NS * (CPW0 + CPW1)
EP = NCH * CHUNK
NP = N + 112
RPT = NP // NS
DW = 8

_sc_mesh = plsc.VectorSubcoreMesh(
    core_axis_name="c", subcore_axis_name="s", num_cores=NC, num_subcores=NS
)


@functools.partial(
    pl.kernel,
    out_type=jax.ShapeDtypeStruct((NC, NP, DW), jnp.float32),
    mesh=_sc_mesh,
    scratch_types=[
        pltpu.VMEM((CHUNK,), jnp.int32),
        pltpu.VMEM((CHUNK, DW), jnp.float32),
        pltpu.VMEM_SHARED((NP, DW), jnp.float32),
    ],
)
def _sc_degree(dst_hbm, ones_hbm, zeros_hbm, out_hbm, didx, ones_v, acc):
    c = lax.axis_index("c")
    s = lax.axis_index("s")
    pltpu.sync_copy(zeros_hbm, acc.at[pl.ds(s * RPT, RPT)])
    pltpu.sync_copy(ones_hbm, ones_v)
    plsc.subcore_barrier()
    base = jnp.where(c == 0, s * CPW0, NS * CPW0 + s * CPW1)
    nb = jnp.where(c == 0, CPW0, CPW1)

    def body(j, carry):
        pltpu.sync_copy(dst_hbm.at[base + j], didx)
        pltpu.sync_copy(ones_v, acc.at[didx], add=True)
        return carry

    lax.fori_loop(0, nb, body, 0)
    plsc.subcore_barrier()
    rows = pl.ds(s * RPT, RPT)
    pltpu.sync_copy(acc.at[rows], out_hbm.at[c, rows])


@functools.partial(
    pl.kernel,
    out_type=jax.ShapeDtypeStruct((NC, NP, HID), jnp.float32),
    mesh=_sc_mesh,
    scratch_types=[
        pltpu.VMEM((CHUNK,), jnp.int32),
        pltpu.VMEM((CHUNK,), jnp.int32),
        pltpu.VMEM((CHUNK, HID), jnp.float32),
        pltpu.VMEM_SHARED((NP, HID), jnp.float32),
        pltpu.SemaphoreType.DMA,
    ],
)
def _sc_gather_scatter(zs_hbm, src_hbm, dst_hbm, zeros_hbm, out_hbm,
                       sidx, didx, rows_v, acc, sem_g):
    c = lax.axis_index("c")
    s = lax.axis_index("s")
    pltpu.sync_copy(zeros_hbm, acc.at[pl.ds(s * RPT, RPT)])
    plsc.subcore_barrier()
    base = jnp.where(c == 0, s * CPW0, NS * CPW0 + s * CPW1)
    nb = jnp.where(c == 0, CPW0, CPW1)

    def body(j, carry):
        pltpu.sync_copy(src_hbm.at[base + j], sidx)
        pltpu.sync_copy(dst_hbm.at[base + j], didx)
        pltpu.async_copy(zs_hbm.at[sidx], rows_v, sem_g).wait()
        pltpu.sync_copy(rows_v, acc.at[didx], add=True)
        return carry

    lax.fori_loop(0, nb, body, 0)
    plsc.subcore_barrier()
    rows = pl.ds(s * RPT, RPT)
    pltpu.sync_copy(acc.at[rows], out_hbm.at[c, rows])



RB = 1000
GRID = N // RB


def _rows_spec(d=HID):
    return pl.BlockSpec((RB, d), lambda i: (i, 0))


def _full_spec(shape):
    return pl.BlockSpec(shape, lambda i: (0,) * len(shape))


def _deg_spec():
    return pl.BlockSpec((NC, RB, DW), lambda i: (0, i, 0))


def _layer_norm(x, g, b):
    mu = jnp.mean(x, axis=-1, keepdims=True)
    var = jnp.mean((x - mu) ** 2, axis=-1, keepdims=True)
    return (x - mu) * lax.rsqrt(var + 1e-5) * g + b


def _dinv_of(deg_ref):
    deg = deg_ref[0, :, 0] + deg_ref[1, :, 0] + 2.0
    return lax.rsqrt(deg)[:, None]


def _emb_block(x, w, b):
    return jnp.dot(x, w, preferred_element_type=jnp.float32) + b


def _gcn_post_block(h, u, zs, acc0, acc1, dinv, wout, bout, bgcn):
    gcn = dinv * (acc0 + acc1 + 2.0 * zs) + bgcn
    gated = jnp.tanh(gcn) * u
    return h + jnp.dot(gated, wout, preferred_element_type=jnp.float32) + bout


def _pre_block(h, ng, nb, win, bin_, sg, sb, wgcn, dinv):
    t = _layer_norm(h, ng, nb)
    a = jnp.dot(t, win, preferred_element_type=jnp.float32) + bin_
    u = 0.5 * a * (1.0 + lax.erf(a * 0.7071067811865476))
    g = _layer_norm(u, sg, sb)
    z = jnp.dot(g, wgcn, preferred_element_type=jnp.float32)
    return u, (z if dinv is None else z * dinv)


def _stage1_body(x_ref, wemb_ref, bemb_ref, ng_ref, nb_ref,
                 win_ref, bin_ref, sg_ref, sb_ref, wgcn_ref,
                 h_ref, u_ref, z_ref):
    h = _emb_block(x_ref[...], wemb_ref[...], bemb_ref[...])
    u, z = _pre_block(h, ng_ref[...], nb_ref[...], win_ref[...], bin_ref[...],
                      sg_ref[...], sb_ref[...], wgcn_ref[...], None)
    h_ref[...] = h
    u_ref[...] = u
    z_ref[...] = z


def _scale_body(z_ref, deg_ref, zs_ref):
    zs_ref[...] = z_ref[...] * _dinv_of(deg_ref)


def _stage2_body(h_ref, u_ref, zs_ref, acc_ref, deg_ref,
                 wout_ref, bout_ref, bgcn_ref,
                 ng_ref, nb_ref, win_ref, bin_ref, sg_ref, sb_ref, wgcn_ref,
                 h2_ref, u2_ref, zs2_ref):
    dinv = _dinv_of(deg_ref)
    h2 = _gcn_post_block(h_ref[...], u_ref[...], zs_ref[...],
                         acc_ref[0], acc_ref[1], dinv,
                         wout_ref[...], bout_ref[...], bgcn_ref[...])
    u2, zs2 = _pre_block(h2, ng_ref[...], nb_ref[...], win_ref[...],
                         bin_ref[...], sg_ref[...], sb_ref[...],
                         wgcn_ref[...], dinv)
    h2_ref[...] = h2
    u2_ref[...] = u2
    zs2_ref[...] = zs2


def _stage3_body(h_ref, u_ref, zs_ref, acc_ref, deg_ref,
                 wout_ref, bout_ref, bgcn_ref, wlin_ref, blin_ref, o_ref):
    dinv = _dinv_of(deg_ref)
    h2 = _gcn_post_block(h_ref[...], u_ref[...], zs_ref[...],
                         acc_ref[0], acc_ref[1], dinv,
                         wout_ref[...], bout_ref[...], bgcn_ref[...])
    o_ref[...] = (
        jnp.dot(h2, wlin_ref[...], preferred_element_type=jnp.float32)
        + blin_ref[...]
    )


_acc_spec = pl.BlockSpec((NC, RB, HID), lambda i: (0, i, 0))
_w_spec = _full_spec((HID, HID))
_b_spec = _full_spec((1, HID))
_nhid = jax.ShapeDtypeStruct((N, HID), jnp.float32)

_stage1 = pl.pallas_call(
    _stage1_body,
    grid=(GRID,),
    in_specs=[_rows_spec(), _w_spec, _b_spec,
              _b_spec, _b_spec, _w_spec, _b_spec, _b_spec, _b_spec, _w_spec],
    out_specs=[_rows_spec(), _rows_spec(), _rows_spec()],
    out_shape=[_nhid, _nhid, _nhid],
)

_scale = pl.pallas_call(
    _scale_body,
    grid=(GRID,),
    in_specs=[_rows_spec(), _deg_spec()],
    out_specs=_rows_spec(),
    out_shape=jax.ShapeDtypeStruct((N, HID), jnp.float32),
)

_stage2 = pl.pallas_call(
    _stage2_body,
    grid=(GRID,),
    in_specs=[_rows_spec(), _rows_spec(), _rows_spec(), _acc_spec, _deg_spec(),
              _w_spec, _b_spec, _b_spec,
              _b_spec, _b_spec, _w_spec, _b_spec, _b_spec, _b_spec, _w_spec],
    out_specs=[_rows_spec(), _rows_spec(), _rows_spec()],
    out_shape=[_nhid, _nhid, _nhid],
)

_stage3 = pl.pallas_call(
    _stage3_body,
    grid=(GRID,),
    in_specs=[_rows_spec(), _rows_spec(), _rows_spec(), _acc_spec, _deg_spec(),
              _w_spec, _b_spec, _b_spec, _full_spec((HID, C)), _full_spec((1, C))],
    out_specs=_rows_spec(C),
    out_shape=jax.ShapeDtypeStruct((N, C), jnp.float32),
)


def kernel(x, params, edge_index):
    f32 = jnp.float32
    src = edge_index[0].astype(jnp.int32)
    dst = edge_index[1].astype(jnp.int32)
    pad = EP - E
    srcp = jnp.concatenate([src, jnp.zeros((pad,), jnp.int32)]).reshape(
        EP // CHUNK, CHUNK)
    dstp = jnp.concatenate([dst, jnp.full((pad,), N, jnp.int32)]).reshape(
        EP // CHUNK, CHUNK)

    ones_dw = jnp.ones((CHUNK, DW), f32)
    zeros_dw = jnp.zeros((RPT, DW), f32)
    zeros_h = jnp.zeros((RPT, HID), f32)

    degp = _sc_degree(dstp, ones_dw, zeros_dw)[:, :N, :]

    p = params
    l0, l1 = p['layers']
    h0, u0, z0 = _stage1(
        x, p['Wemb'].T, p['bemb'][None, :],
        l0['norm_g'][None, :], l0['norm_b'][None, :],
        l0['Win'].T, l0['bin'][None, :],
        l0['sgu_norm_g'][None, :], l0['sgu_norm_b'][None, :], l0['Wgcn'].T,
    )
    zs0 = _scale(z0, degp)
    acc0 = _sc_gather_scatter(zs0, srcp, dstp, zeros_h)[:, :N, :]
    h1, u1, zs1 = _stage2(
        h0, u0, zs0, acc0, degp,
        l0['Wout'].T, l0['bout'][None, :], l0['bgcn'][None, :],
        l1['norm_g'][None, :], l1['norm_b'][None, :],
        l1['Win'].T, l1['bin'][None, :],
        l1['sgu_norm_g'][None, :], l1['sgu_norm_b'][None, :], l1['Wgcn'].T,
    )
    acc1 = _sc_gather_scatter(zs1, srcp, dstp, zeros_h)[:, :N, :]
    return _stage3(
        h1, u1, zs1, acc1, degp,
        l1['Wout'].T, l1['bout'][None, :], l1['bgcn'][None, :],
        p['Wlin'].T, p['blin'][None, :],
    )

# --- scband reference (transcript-rebuilt; emitter-appended) ---
"""Pipeline reference for scband-g-mlp-35897336660174 (READ-ONLY COPY).

The authoritative reference and input builder live on the scoring server;
editing this copy changes nothing except your own understanding.
"""

import jax, jax.numpy as jnp
import numpy as np

N = 10000
E = 320000
F_IN = 128
HID = 128
FFN = 128
C = 40
L = 2
INIT_EPS = 0.001 / FFN


def _layer_norm(x, g, b):
    mu = jnp.mean(x, axis=-1, keepdims=True)
    var = jnp.var(x, axis=-1, keepdims=True)
    return (x - mu) / jnp.sqrt(var + 1e-5) * g + b


def _gelu(x):
    return jax.nn.gelu(x, approximate=False)


def _gcn_improved(x, edge_index, W, b):
    # GCNConv with improved=True: A_hat = A + 2I, sym normalization
    src = edge_index[0]
    dst = edge_index[1]
    n = x.shape[0]
    x = x @ W.T
    deg = jnp.zeros((n,), x.dtype).at[dst].add(1.0) + 2.0
    dinv = 1.0 / jnp.sqrt(deg)
    norm = dinv[src] * dinv[dst]
    msg = x[src] * norm[:, None]
    out = jnp.zeros_like(x).at[dst].add(msg)
    out = out + x * (2.0 / deg)[:, None]
    return out + b


def _block(x, edge_index, p):
    h = _layer_norm(x, p['norm_g'], p['norm_b'])
    h = h @ p['Win'].T + p['bin']
    h = _gelu(h)
    gate = _layer_norm(h, p['sgu_norm_g'], p['sgu_norm_b'])
    gate = _gcn_improved(gate, edge_index, p['Wgcn'], p['bgcn'])
    gate = jnp.tanh(gate)
    h = gate * h
    h = h @ p['Wout'].T + p['bout']
    return h


def setup_inputs(seed: int = 0) -> dict:
    key = jax.random.key(seed)
    ks = jax.random.split(key, 32)
    x = jax.random.normal(ks[0], (N, F_IN), dtype=jnp.float32)
    edge_index = jax.random.randint(ks[1], (2, E), 0, N, dtype=jnp.int64 if jax.config.jax_enable_x64 else jnp.int32)
    layers = []
    for i in range(L):
        kk = jax.random.split(ks[2 + i], 8)
        layers.append({
            'norm_g': jnp.ones((HID,), jnp.float32),
            'norm_b': jnp.zeros((HID,), jnp.float32),
            'Win': jax.random.normal(kk[0], (FFN, HID), jnp.float32) * 0.02,
            'bin': jnp.zeros((FFN,), jnp.float32),
            'sgu_norm_g': jnp.ones((FFN,), jnp.float32),
            'sgu_norm_b': jnp.zeros((FFN,), jnp.float32),
            'Wgcn': jax.random.uniform(kk[1], (FFN, FFN), jnp.float32, -INIT_EPS, INIT_EPS),
            'bgcn': jnp.full((FFN,), 1.0, jnp.float32),
            'Wout': jax.random.normal(kk[2], (HID, FFN), jnp.float32) * 0.02,
            'bout': jnp.zeros((HID,), jnp.float32),
        })
    params = {
        'Wemb': jax.random.normal(ks[10], (HID, F_IN), jnp.float32) * 0.02,
        'bemb': jnp.zeros((HID,), jnp.float32),
        'layers': layers,
        'Wlin': jax.random.normal(ks[11], (C, HID), jnp.float32) * 0.02,
        'blin': jnp.zeros((C,), jnp.float32),
    }
    return {'x': x, 'params': params, 'edge_index': edge_index}


def reference(x, params, edge_index):
    # eval mode: prob_survival=1 -> all layers kept; node_level=True
    h = x @ params['Wemb'].T + params['bemb']
    for p in params['layers']:
        h = h + _block(h, edge_index, p)
    out = h @ params['Wlin'].T + params['blin']
    return out

if __name__ == "__main__":
    import jax
    _d = setup_inputs()
    print(jax.jit(kernel)(*tuple(_d.values())))

</pallas_src>

<mosaic_0001>
#map = affine_map<(d0, d1) -> (0, 0)>
#map1 = affine_map<(d0, d1) -> (0, 0, 0)>
module attributes {stable_mosaic.version = 14 : i64} {
  func.func @_sc_degree(%arg0: i32, %arg1: i32, %arg2: memref<2528x128xi32, #tpu.memory_space<hbm>>, %arg3: memref<128x8xf32, #tpu.memory_space<hbm>>, %arg4: memref<632x8xf32, #tpu.memory_space<hbm>>, %arg5: memref<2x10112x8xf32, #tpu.memory_space<hbm>>, %arg6: memref<128xi32, #tpu.memory_space<vmem>>, %arg7: memref<128x8xf32, #tpu.memory_space<vmem>>, %arg8: memref<10112x8xf32, #tpu.memory_space<vmem_shared>>) attributes {dimension_semantics = [#tpu.dimension_semantics<core_parallel>, #tpu.dimension_semantics<subcore_parallel>], iteration_bounds = array<i64: 2, 16>, scalar_prefetch = 0 : i64, scratch_operands = 3 : i64, tpu.core_type = #tpu.core_type<sc_vector_subcore>, window_params = [{transform_indices = #map}, {transform_indices = #map}, {transform_indices = #map}, {transform_indices = #map1}]} {
    %mul3A = arith.constant 632 : i32
    %mul3A_0 = arith.muli %arg1, %mul3A : i32
    "tpu.region"() ({
      %run_scoped3A = tpu.sem_alloc : memref<!tpu.dma_semaphore, #tpu.memory_space<semaphore_mem>>
      %dma_start3A = arith.constant 0 : i32
      %dma_start3A_23 = tpu.memref_slice %arg8[%mul3A_0, %dma_start3A] : memref<10112x8xf32, #tpu.memory_space<vmem_shared>> -> memref<632x8xf32, #tpu.memory_space<vmem_shared>>
      tpu.enqueue_dma source(%arg4 : memref<632x8xf32, #tpu.memory_space<hbm>>) target(%dma_start3A_23 : memref<632x8xf32, #tpu.memory_space<vmem_shared>>) target_semaphore(%run_scoped3A : memref<!tpu.dma_semaphore, #tpu.memory_space<semaphore_mem>>)
      %dma_wait3A = arith.constant 0 : i32
      %dma_wait3A_24 = tpu.memref_slice %arg8[%mul3A_0, %dma_wait3A] : memref<10112x8xf32, #tpu.memory_space<vmem_shared>> -> memref<632x8xf32, #tpu.memory_space<vmem_shared>>
      tpu.wait_dma2 semaphore(%run_scoped3A : memref<!tpu.dma_semaphore, #tpu.memory_space<semaphore_mem>>) src(%arg4 : memref<632x8xf32, #tpu.memory_space<hbm>>) dst(%dma_wait3A_24 : memref<632x8xf32, #tpu.memory_space<vmem_shared>>)
      tpu.yield
    }) : () -> ()
    "tpu.region"() ({
      %run_scoped3A = tpu.sem_alloc : memref<!tpu.dma_semaphore, #tpu.memory_space<semaphore_mem>>
      tpu.enqueue_dma source(%arg3 : memref<128x8xf32, #tpu.memory_space<hbm>>) target(%arg7 : memref<128x8xf32, #tpu.memory_space<vmem>>) target_semaphore(%run_scoped3A : memref<!tpu.dma_semaphore, #tpu.memory_space<semaphore_mem>>)
      tpu.wait_dma2 semaphore(%run_scoped3A : memref<!tpu.dma_semaphore, #tpu.memory_space<semaphore_mem>>) src(%arg3 : memref<128x8xf32, #tpu.memory_space<hbm>>) dst(%arg7 : memref<128x8xf32, #tpu.memory_space<vmem>>)
      tpu.yield
    }) : () -> ()
    %barrier3A = arith.constant 0 : index
    tpu.barrier barrier_id(%barrier3A)
    %eq3A = arith.constant 0 : i32
    %eq3A_1 = arith.cmpi eq, %arg0, %eq3A : i32
    %mul3A_2 = arith.constant 96 : i32
    %mul3A_3 = arith.muli %arg1, %mul3A_2 : i32
    %mul3A_4 = arith.constant 62 : i32
    %mul3A_5 = arith.muli %arg1, %mul3A_4 : i32
    %add3A = arith.constant 1536 : i32
    %add3A_6 = arith.addi %add3A, %mul3A_5 : i32
    %select_n3A = arith.select %eq3A_1, %mul3A_3, %add3A_6 : i32
    %eq3A_7 = arith.constant 0 : i32
    %eq3A_8 = arith.cmpi eq, %arg0, %eq3A_7 : i32
    %jit3A = arith.constant 96 : i32
    %jit3A_9 = arith.constant 62 : i32
    %select_n3A_10 = arith.select %eq3A_8, %jit3A, %jit3A_9 : i32
    %while3A = arith.constant 0 : i32
    %while3A_11 = arith.constant 0 : i32
    %while3A_12 = arith.subi %select_n3A_10, %while3A_11 : i32
    %while3A_13 = arith.addi %while3A_11, %while3A_12 : i32
    %while3A_14 = arith.constant 1 : i32
    %while3A_15 = arith.divsi %while3A_12, %while3A_14 : i32
    %while3A_16 = arith.muli %while3A_15, %while3A_14 : i32
    %while3A_17 = arith.addi %while3A_11, %while3A_16 : i32
    %while3A_18 = arith.constant 1 : i32
    scf.for %while3A_23 = %while3A_11 to %while3A_17 step %while3A_18  : i32 {
      %add3A_24 = arith.addi %select_n3A, %while3A_23 : i32
      "tpu.region"() ({
        %run_scoped3A = tpu.sem_alloc : memref<!tpu.dma_semaphore, #tpu.memory_space<semaphore_mem>>
        %dma_start3A = arith.constant 0 : i32
        %dma_start3A_25 = tpu.memref_slice %arg2[%add3A_24, %dma_start3A] : memref<2528x128xi32, #tpu.memory_space<hbm>> -> memref<1x128xi32, #tpu.memory_space<hbm>>
        %dma_start3A_26 = tpu.memref_squeeze %dma_start3A_25 : memref<1x128xi32, #tpu.memory_space<hbm>> -> memref<128xi32, #tpu.memory_space<hbm>>
        %dma_start3A_27 = arith.constant 0 : i32
        %dma_start3A_28 = tpu.memref_slice %arg2[%add3A_24, %dma_start3A_27] : memref<2528x128xi32, #tpu.memory_space<hbm>> -> memref<1x128xi32, #tpu.memory_space<hbm>>
        %dma_start3A_29 = tpu.memref_squeeze %dma_start3A_28 : memref<1x128xi32, #tpu.memory_space<hbm>> -> memref<128xi32, #tpu.memory_space<hbm>>
        tpu.enqueue_dma source(%dma_start3A_29 : memref<128xi32, #tpu.memory_space<hbm>>) target(%arg6 : memref<128xi32, #tpu.memory_space<vmem>>) target_semaphore(%run_scoped3A : memref<!tpu.dma_semaphore, #tpu.memory_space<semaphore_mem>>)
        %dma_wait3A = arith.constant 0 : i32
        %dma_wait3A_30 = tpu.memref_slice %arg2[%add3A_24, %dma_wait3A] : memref<2528x128xi32, #tpu.memory_space<hbm>> -> memref<1x128xi32, #tpu.memory_space<hbm>>
        %dma_wait3A_31 = tpu.memref_squeeze %dma_wait3A_30 : memref<1x128xi32, #tpu.memory_space<hbm>> -> memref<128xi32, #tpu.memory_space<hbm>>
        %dma_wait3A_32 = arith.constant 0 : i32
        %dma_wait3A_33 = tpu.memref_slice %arg2[%add3A_24, %dma_wait3A_32] : memref<2528x128xi32, #tpu.memory_space<hbm>> -> memref<1x128xi32, #tpu.memory_space<hbm>>
        %dma_wait3A_34 = tpu.memref_squeeze %dma_wait3A_33 : memref<1x128xi32, #tpu.memory_space<hbm>> -> memref<128xi32, #tpu.memory_space<hbm>>
        tpu.wait_dma2 semaphore(%run_scoped3A : memref<!tpu.dma_semaphore, #tpu.memory_space<semaphore_mem>>) src(%dma_wait3A_34 : memref<128xi32, #tpu.memory_space<hbm>>) dst(%arg6 : memref<128xi32, #tpu.memory_space<vmem>>)
        tpu.yield
      }) : () -> ()
      "tpu.region"() ({
        %run_scoped3A = tpu.sem_alloc : memref<!tpu.dma_semaphore, #tpu.memory_space<semaphore_mem>>
        %dma_start3A = arith.constant 0 : i32
        %dma_start3A_25 = arith.constant 0 : i32
        %dma_start3A_26 = tpu.memref_slice %arg8[%dma_start3A, %dma_start3A_25] : memref<10112x8xf32, #tpu.memory_space<vmem_shared>> -> memref<10112x8xf32, #tpu.memory_space<vmem_shared>>
        tpu.enqueue_indirect_dma source(%arg7 : memref<128x8xf32, #tpu.memory_space<vmem>>) target(%dma_start3A_26 : memref<10112x8xf32, #tpu.memory_space<vmem_shared>>) offsets(%arg6 : memref<128xi32, #tpu.memory_space<vmem>>) semaphore(%run_scoped3A : memref<!tpu.dma_semaphore, #tpu.memory_space<semaphore_mem>>) {add = true}
        %dma_wait3A = arith.constant 0 : i32
        %dma_wait3A_27 = arith.constant 0 : i32
        %dma_wait3A_28 = tpu.memref_slice %arg8[%dma_wait3A, %dma_wait3A_27] : memref<10112x8xf32, #tpu.memory_space<vmem_shared>> -> memref<10112x8xf32, #tpu.memory_space<vmem_shared>>
        tpu.wait_indirect_dma semaphore(%run_scoped3A : memref<!tpu.dma_semaphore, #tpu.memory_space<semaphore_mem>>) src(%arg7 : memref<128x8xf32, #tpu.memory_space<vmem>>) dst(%dma_wait3A_28 : memref<10112x8xf32, #tpu.memory_space<vmem_shared>>)
        tpu.yield
      }) : () -> ()
    }
    %while3A_19 = arith.constant 1 : i32
    scf.for %while3A_23 = %while3A_17 to %while3A_13 step %while3A_19  : i32 {
      %add3A_24 = arith.addi %select_n3A, %while3A_23 : i32
      "tpu.region"() ({
        %run_scoped3A = tpu.sem_alloc : memref<!tpu.dma_semaphore, #tpu.memory_space<semaphore_mem>>
        %dma_start3A = arith.constant 0 : i32
        %dma_start3A_25 = tpu.memref_slice %arg2[%add3A_24, %dma_start3A] : memref<2528x128xi32, #tpu.memory_space<hbm>> -> memref<1x128xi32, #tpu.memory_space<hbm>>
        %dma_start3A_26 = tpu.memref_squeeze %dma_start3A_25 : memref<1x128xi32, #tpu.memory_space<hbm>> -> memref<128xi32, #tpu.memory_space<hbm>>
        %dma_start3A_27 = arith.constant 0 : i32
        %dma_start3A_28 = tpu.memref_slice %arg2[%add3A_24, %dma_start3A_27] : memref<2528x128xi32, #tpu.memory_space<hbm>> -> memref<1x128xi32, #tpu.memory_space<hbm>>
        %dma_start3A_29 = tpu.memref_squeeze %dma_start3A_28 : memref<1x128xi32, #tpu.memory_space<hbm>> -> memref<128xi32, #tpu.memory_space<hbm>>
        tpu.enqueue_dma source(%dma_start3A_29 : memref<128xi32, #tpu.memory_space<hbm>>) target(%arg6 : memref<128xi32, #tpu.memory_space<vmem>>) target_semaphore(%run_scoped3A : memref<!tpu.dma_semaphore, #tpu.memory_space<semaphore_mem>>)
        %dma_wait3A = arith.constant 0 : i32
        %dma_wait3A_30 = tpu.memref_slice %arg2[%add3A_24, %dma_wait3A] : memref<2528x128xi32, #tpu.memory_space<hbm>> -> memref<1x128xi32, #tpu.memory_space<hbm>>
        %dma_wait3A_31 = tpu.memref_squeeze %dma_wait3A_30 : memref<1x128xi32, #tpu.memory_space<hbm>> -> memref<128xi32, #tpu.memory_space<hbm>>
        %dma_wait3A_32 = arith.constant 0 : i32
        %dma_wait3A_33 = tpu.memref_slice %arg2[%add3A_24, %dma_wait3A_32] : memref<2528x128xi32, #tpu.memory_space<hbm>> -> memref<1x128xi32, #tpu.memory_space<hbm>>
        %dma_wait3A_34 = tpu.memref_squeeze %dma_wait3A_33 : memref<1x128xi32, #tpu.memory_space<hbm>> -> memref<128xi32, #tpu.memory_space<hbm>>
        tpu.wait_dma2 semaphore(%run_scoped3A : memref<!tpu.dma_semaphore, #tpu.memory_space<semaphore_mem>>) src(%dma_wait3A_34 : memref<128xi32, #tpu.memory_space<hbm>>) dst(%arg6 : memref<128xi32, #tpu.memory_space<vmem>>)
        tpu.yield
      }) : () -> ()
      "tpu.region"() ({
        %run_scoped3A = tpu.sem_alloc : memref<!tpu.dma_semaphore, #tpu.memory_space<semaphore_mem>>
        %dma_start3A = arith.constant 0 : i32
        %dma_start3A_25 = arith.constant 0 : i32
        %dma_start3A_26 = tpu.memref_slice %arg8[%dma_start3A, %dma_start3A_25] : memref<10112x8xf32, #tpu.memory_space<vmem_shared>> -> memref<10112x8xf32, #tpu.memory_space<vmem_shared>>
        tpu.enqueue_indirect_dma source(%arg7 : memref<128x8xf32, #tpu.memory_space<vmem>>) target(%dma_start3A_26 : memref<10112x8xf32, #tpu.memory_space<vmem_shared>>) offsets(%arg6 : memref<128xi32, #tpu.memory_space<vmem>>) semaphore(%run_scoped3A : memref<!tpu.dma_semaphore, #tpu.memory_space<semaphore_mem>>) {add = true}
        %dma_wait3A = arith.constant 0 : i32
        %dma_wait3A_27 = arith.constant 0 : i32
        %dma_wait3A_28 = tpu.memref_slice %arg8[%dma_wait3A, %dma_wait3A_27] : memref<10112x8xf32, #tpu.memory_space<vmem_shared>> -> memref<10112x8xf32, #tpu.memory_space<vmem_shared>>
        tpu.wait_indirect_dma semaphore(%run_scoped3A : memref<!tpu.dma_semaphore, #tpu.memory_space<semaphore_mem>>) src(%arg7 : memref<128x8xf32, #tpu.memory_space<vmem>>) dst(%dma_wait3A_28 : memref<10112x8xf32, #tpu.memory_space<vmem_shared>>)
        tpu.yield
      }) : () -> ()
    }
    %barrier3A_20 = arith.constant 0 : index
    tpu.barrier barrier_id(%barrier3A_20)
    %mul3A_21 = arith.constant 632 : i32
    %mul3A_22 = arith.muli %arg1, %mul3A_21 : i32
    "tpu.region"() ({
      %run_scoped3A = tpu.sem_alloc : memref<!tpu.dma_semaphore, #tpu.memory_space<semaphore_mem>>
      %dma_start3A = arith.constant 0 : i32
      %dma_start3A_23 = tpu.memref_slice %arg5[%arg0, %mul3A_22, %dma_start3A] : memref<2x10112x8xf32, #tpu.memory_space<hbm>> -> memref<1x632x8xf32, #tpu.memory_space<hbm>>
      %dma_start3A_24 = tpu.memref_squeeze %dma_start3A_23 : memref<1x632x8xf32, #tpu.memory_space<hbm>> -> memref<632x8xf32, #tpu.memory_space<hbm>>
      %dma_start3A_25 = arith.constant 0 : i32
      %dma_start3A_26 = tpu.memref_slice %arg8[%mul3A_22, %dma_start3A_25] : memref<10112x8xf32, #tpu.memory_space<vmem_shared>> -> memref<632x8xf32, #tpu.memory_space<vmem_shared>>
      tpu.enqueue_dma source(%dma_start3A_26 : memref<632x8xf32, #tpu.memory_space<vmem_shared>>) target(%dma_start3A_24 : memref<632x8xf32, #tpu.memory_space<hbm>>) target_semaphore(%run_scoped3A : memref<!tpu.dma_semaphore, #tpu.memory_space<semaphore_mem>>)
      %dma_wait3A = arith.constant 0 : i32
      %dma_wait3A_27 = tpu.memref_slice %arg5[%arg0, %mul3A_22, %dma_wait3A] : memref<2x10112x8xf32, #tpu.memory_space<hbm>> -> memref<1x632x8xf32, #tpu.memory_space<hbm>>
      %dma_wait3A_28 = tpu.memref_squeeze %dma_wait3A_27 : memref<1x632x8xf32, #tpu.memory_space<hbm>> -> memref<632x8xf32, #tpu.memory_space<hbm>>
      %dma_wait3A_29 = arith.constant 0 : i32
      %dma_wait3A_30 = tpu.memref_slice %arg8[%mul3A_22, %dma_wait3A_29] : memref<10112x8xf32, #tpu.memory_space<vmem_shared>> -> memref<632x8xf32, #tpu.memory_space<vmem_shared>>
      tpu.wait_dma2 semaphore(%run_scoped3A : memref<!tpu.dma_semaphore, #tpu.memory_space<semaphore_mem>>) src(%dma_wait3A_30 : memref<632x8xf32, #tpu.memory_space<vmem_shared>>) dst(%dma_wait3A_28 : memref<632x8xf32, #tpu.memory_space<hbm>>)
      tpu.yield
    }) : () -> ()
    return
  }
}

#map = affine_map<(d0, d1) -> (0, 0)>
#map1 = affine_map<(d0, d1) -> (0, 0, 0)>
module attributes {stable_mosaic.version = 14 : i64} {
  func.func @_sc_gather_scatter(%arg0: i32, %arg1: i32, %arg2: memref<10000x128xf32, #tpu.memory_space<hbm>>, %arg3: memref<2528x128xi32, #tpu.memory_space<hbm>>, %arg4: memref<2528x128xi32, #tpu.memory_space<hbm>>, %arg5: memref<632x128xf32, #tpu.memory_space<hbm>>, %arg6: memref<2x10112x128xf32, #tpu.memory_space<hbm>>, %arg7: memref<128xi32, #tpu.memory_space<vmem>>, %arg8: memref<128xi32, #tpu.memory_space<vmem>>, %arg9: memref<128x128xf32, #tpu.memory_space<vmem>>, %arg10: memref<10112x128xf32, #tpu.memory_space<vmem_shared>>, %arg11: memref<!tpu.dma_semaphore, #tpu.memory_space<semaphore_mem>>) attributes {dimension_semantics = [#tpu.dimension_semantics<core_parallel>, #tpu.dimension_semantics<subcore_parallel>], iteration_bounds = array<i64: 2, 16>, scalar_prefetch = 0 : i64, scratch_operands = 5 : i64, tpu.core_type = #tpu.core_type<sc_vector_subcore>, window_params = [{transform_indices = #map}, {transform_indices = #map}, {transform_indices = #map}, {transform_indices = #map}, {transform_indices = #map1}]} {
    %mul3A = arith.constant 632 : i32
    %mul3A_0 = arith.muli %arg1, %mul3A : i32
    "tpu.region"() ({
      %run_scoped3A = tpu.sem_alloc : memref<!tpu.dma_semaphore, #tpu.memory_space<semaphore_mem>>
      %dma_start3A = arith.constant 0 : i32
      %dma_start3A_23 = tpu.memref_slice %arg10[%mul3A_0, %dma_start3A] : memref<10112x128xf32, #tpu.memory_space<vmem_shared>> -> memref<632x128xf32, #tpu.memory_space<vmem_shared>>
      tpu.enqueue_dma source(%arg5 : memref<632x128xf32, #tpu.memory_space<hbm>>) target(%dma_start3A_23 : memref<632x128xf32, #tpu.memory_space<vmem_shared>>) target_semaphore(%run_scoped3A : memref<!tpu.dma_semaphore, #tpu.memory_space<semaphore_mem>>)
      %dma_wait3A = arith.constant 0 : i32
      %dma_wait3A_24 = tpu.memref_slice %arg10[%mul3A_0, %dma_wait3A] : memref<10112x128xf32, #tpu.memory_space<vmem_shared>> -> memref<632x128xf32, #tpu.memory_space<vmem_shared>>
      tpu.wait_dma2 semaphore(%run_scoped3A : memref<!tpu.dma_semaphore, #tpu.memory_space<semaphore_mem>>) src(%arg5 : memref<632x128xf32, #tpu.memory_space<hbm>>) dst(%dma_wait3A_24 : memref<632x128xf32, #tpu.memory_space<vmem_shared>>)
      tpu.yield
    }) : () -> ()
    %barrier3A = arith.constant 0 : index
    tpu.barrier barrier_id(%barrier3A)
    %eq3A = arith.constant 0 : i32
    %eq3A_1 = arith.cmpi eq, %arg0, %eq3A : i32
    %mul3A_2 = arith.constant 96 : i32
    %mul3A_3 = arith.muli %arg1, %mul3A_2 : i32
    %mul3A_4 = arith.constant 62 : i32
    %mul3A_5 = arith.muli %arg1, %mul3A_4 : i32
    %add3A = arith.constant 1536 : i32
    %add3A_6 = arith.addi %add3A, %mul3A_5 : i32
    %select_n3A = arith.select %eq3A_1, %mul3A_3, %add3A_6 : i32
    %eq3A_7 = arith.constant 0 : i32
    %eq3A_8 = arith.cmpi eq, %arg0, %eq3A_7 : i32
    %jit3A = arith.constant 96 : i32
    %jit3A_9 = arith.constant 62 : i32
    %select_n3A_10 = arith.select %eq3A_8, %jit3A, %jit3A_9 : i32
    %while3A = arith.constant 0 : i32
    %while3A_11 = arith.constant 0 : i32
    %while3A_12 = arith.subi %select_n3A_10, %while3A_11 : i32
    %while3A_13 = arith.addi %while3A_11, %while3A_12 : i32
    %while3A_14 = arith.constant 1 : i32
    %while3A_15 = arith.divsi %while3A_12, %while3A_14 : i32
    %while3A_16 = arith.muli %while3A_15, %while3A_14 : i32
    %while3A_17 = arith.addi %while3A_11, %while3A_16 : i32
    %while3A_18 = arith.constant 1 : i32
    scf.for %while3A_23 = %while3A_11 to %while3A_17 step %while3A_18  : i32 {
      %add3A_24 = arith.addi %select_n3A, %while3A_23 : i32
      "tpu.region"() ({
        %run_scoped3A = tpu.sem_alloc : memref<!tpu.dma_semaphore, #tpu.memory_space<semaphore_mem>>
        %dma_start3A_30 = arith.constant 0 : i32
        %dma_start3A_31 = tpu.memref_slice %arg3[%add3A_24, %dma_start3A_30] : memref<2528x128xi32, #tpu.memory_space<hbm>> -> memref<1x128xi32, #tpu.memory_space<hbm>>
        %dma_start3A_32 = tpu.memref_squeeze %dma_start3A_31 : memref<1x128xi32, #tpu.memory_space<hbm>> -> memref<128xi32, #tpu.memory_space<hbm>>
        %dma_start3A_33 = arith.constant 0 : i32
        %dma_start3A_34 = tpu.memref_slice %arg3[%add3A_24, %dma_start3A_33] : memref<2528x128xi32, #tpu.memory_space<hbm>> -> memref<1x128xi32, #tpu.memory_space<hbm>>
        %dma_start3A_35 = tpu.memref_squeeze %dma_start3A_34 : memref<1x128xi32, #tpu.memory_space<hbm>> -> memref<128xi32, #tpu.memory_space<hbm>>
        tpu.enqueue_dma source(%dma_start3A_35 : memref<128xi32, #tpu.memory_space<hbm>>) target(%arg7 : memref<128xi32, #tpu.memory_space<vmem>>) target_semaphore(%run_scoped3A : memref<!tpu.dma_semaphore, #tpu.memory_space<semaphore_mem>>)
        %dma_wait3A_36 = arith.constant 0 : i32
        %dma_wait3A_37 = tpu.memref_slice %arg3[%add3A_24, %dma_wait3A_36] : memref<2528x128xi32, #tpu.memory_space<hbm>> -> memref<1x128xi32, #tpu.memory_space<hbm>>
        %dma_wait3A_38 = tpu.memref_squeeze %dma_wait3A_37 : memref<1x128xi32, #tpu.memory_space<hbm>> -> memref<128xi32, #tpu.memory_space<hbm>>
        %dma_wait3A_39 = arith.constant 0 : i32
        %dma_wait3A_40 = tpu.memref_slice %arg3[%add3A_24, %dma_wait3A_39] : memref<2528x128xi32, #tpu.memory_space<hbm>> -> memref<1x128xi32, #tpu.memory_space<hbm>>
        %dma_wait3A_41 = tpu.memref_squeeze %dma_wait3A_40 : memref<1x128xi32, #tpu.memory_space<hbm>> -> memref<128xi32, #tpu.memory_space<hbm>>
        tpu.wait_dma2 semaphore(%run_scoped3A : memref<!tpu.dma_semaphore, #tpu.memory_space<semaphore_mem>>) src(%dma_wait3A_41 : memref<128xi32, #tpu.memory_space<hbm>>) dst(%arg7 : memref<128xi32, #tpu.memory_space<vmem>>)
        tpu.yield
      }) : () -> ()
      %add3A_25 = arith.addi %select_n3A, %while3A_23 : i32
      "tpu.region"() ({
        %run_scoped3A = tpu.sem_alloc : memref<!tpu.dma_semaphore, #tpu.memory_space<semaphore_mem>>
        %dma_start3A_30 = arith.constant 0 : i32
        %dma_start3A_31 = tpu.memref_slice %arg4[%add3A_25, %dma_start3A_30] : memref<2528x128xi32, #tpu.memory_space<hbm>> -> memref<1x128xi32, #tpu.memory_space<hbm>>
        %dma_start3A_32 = tpu.memref_squeeze %dma_start3A_31 : memref<1x128xi32, #tpu.memory_space<hbm>> -> memref<128xi32, #tpu.memory_space<hbm>>
        %dma_start3A_33 = arith.constant 0 : i32
        %dma_start3A_34 = tpu.memref_slice %arg4[%add3A_25, %dma_start3A_33] : memref<2528x128xi32, #tpu.memory_space<hbm>> -> memref<1x128xi32, #tpu.memory_space<hbm>>
        %dma_start3A_35 = tpu.memref_squeeze %dma_start3A_34 : memref<1x128xi32, #tpu.memory_space<hbm>> -> memref<128xi32, #tpu.memory_space<hbm>>
        tpu.enqueue_dma source(%dma_start3A_35 : memref<128xi32, #tpu.memory_space<hbm>>) target(%arg8 : memref<128xi32, #tpu.memory_space<vmem>>) target_semaphore(%run_scoped3A : memref<!tpu.dma_semaphore, #tpu.memory_space<semaphore_mem>>)
        %dma_wait3A_36 = arith.constant 0 : i32
        %dma_wait3A_37 = tpu.memref_slice %arg4[%add3A_25, %dma_wait3A_36] : memref<2528x128xi32, #tpu.memory_space<hbm>> -> memref<1x128xi32, #tpu.memory_space<hbm>>
        %dma_wait3A_38 = tpu.memref_squeeze %dma_wait3A_37 : memref<1x128xi32, #tpu.memory_space<hbm>> -> memref<128xi32, #tpu.memory_space<hbm>>
        %dma_wait3A_39 = arith.constant 0 : i32
        %dma_wait3A_40 = tpu.memref_slice %arg4[%add3A_25, %dma_wait3A_39] : memref<2528x128xi32, #tpu.memory_space<hbm>> -> memref<1x128xi32, #tpu.memory_space<hbm>>
        %dma_wait3A_41 = tpu.memref_squeeze %dma_wait3A_40 : memref<1x128xi32, #tpu.memory_space<hbm>> -> memref<128xi32, #tpu.memory_space<hbm>>
        tpu.wait_dma2 semaphore(%run_scoped3A : memref<!tpu.dma_semaphore, #tpu.memory_space<semaphore_mem>>) src(%dma_wait3A_41 : memref<128xi32, #tpu.memory_space<hbm>>) dst(%arg8 : memref<128xi32, #tpu.memory_space<vmem>>)
        tpu.yield
      }) : () -> ()
      %dma_start3A = arith.constant 0 : i32
      %dma_start3A_26 = arith.constant 0 : i32
      %dma_start3A_27 = tpu.memref_slice %arg2[%dma_start3A, %dma_start3A_26] : memref<10000x128xf32, #tpu.memory_space<hbm>> -> memref<10000x128xf32, #tpu.memory_space<hbm>>
      tpu.enqueue_indirect_dma source(%dma_start3A_27 : memref<10000x128xf32, #tpu.memory_space<hbm>>) target(%arg9 : memref<128x128xf32, #tpu.memory_space<vmem>>) offsets(%arg7 : memref<128xi32, #tpu.memory_space<vmem>>) semaphore(%arg11 : memref<!tpu.dma_semaphore, #tpu.memory_space<semaphore_mem>>)
      %dma_wait3A = arith.constant 0 : i32
      %dma_wait3A_28 = arith.constant 0 : i32
      %dma_wait3A_29 = tpu.memref_slice %arg2[%dma_wait3A, %dma_wait3A_28] : memref<10000x128xf32, #tpu.memory_space<hbm>> -> memref<10000x128xf32, #tpu.memory_space<hbm>>
      tpu.wait_indirect_dma semaphore(%arg11 : memref<!tpu.dma_semaphore, #tpu.memory_space<semaphore_mem>>) src(%dma_wait3A_29 : memref<10000x128xf32, #tpu.memory_space<hbm>>) dst(%arg9 : memref<128x128xf32, #tpu.memory_space<vmem>>)
      "tpu.region"() ({
        %run_scoped3A = tpu.sem_alloc : memref<!tpu.dma_semaphore, #tpu.memory_space<semaphore_mem>>
        %dma_start3A_30 = arith.constant 0 : i32
        %dma_start3A_31 = arith.constant 0 : i32
        %dma_start3A_32 = tpu.memref_slice %arg10[%dma_start3A_30, %dma_start3A_31] : memref<10112x128xf32, #tpu.memory_space<vmem_shared>> -> memref<10112x128xf32, #tpu.memory_space<vmem_shared>>
        tpu.enqueue_indirect_dma source(%arg9 : memref<128x128xf32, #tpu.memory_space<vmem>>) target(%dma_start3A_32 : memref<10112x128xf32, #tpu.memory_space<vmem_shared>>) offsets(%arg8 : memref<128xi32, #tpu.memory_space<vmem>>) semaphore(%run_scoped3A : memref<!tpu.dma_semaphore, #tpu.memory_space<semaphore_mem>>) {add = true}
        %dma_wait3A_33 = arith.constant 0 : i32
        %dma_wait3A_34 = arith.constant 0 : i32
        %dma_wait3A_35 = tpu.memref_slice %arg10[%dma_wait3A_33, %dma_wait3A_34] : memref<10112x128xf32, #tpu.memory_space<vmem_shared>> -> memref<10112x128xf32, #tpu.memory_space<vmem_shared>>
        tpu.wait_indirect_dma semaphore(%run_scoped3A : memref<!tpu.dma_semaphore, #tpu.memory_space<semaphore_mem>>) src(%arg9 : memref<128x128xf32, #tpu.memory_space<vmem>>) dst(%dma_wait3A_35 : memref<10112x128xf32, #tpu.memory_space<vmem_shared>>)
        tpu.yield
      }) : () -> ()
    }
    %while3A_19 = arith.constant 1 : i32
    scf.for %while3A_23 = %while3A_17 to %while3A_13 step %while3A_19  : i32 {
      %add3A_24 = arith.addi %select_n3A, %while3A_23 : i32
      "tpu.region"() ({
        %run_scoped3A = tpu.sem_alloc : memref<!tpu.dma_semaphore, #tpu.memory_space<semaphore_mem>>
        %dma_start3A_30 = arith.constant 0 : i32
        %dma_start3A_31 = tpu.memref_slice %arg3[%add3A_24, %dma_start3A_30] : memref<2528x128xi32, #tpu.memory_space<hbm>> -> memref<1x128xi32, #tpu.memory_space<hbm>>
        %dma_start3A_32 = tpu.memref_squeeze %dma_start3A_31 : memref<1x128xi32, #tpu.memory_space<hbm>> -> memref<128xi32, #tpu.memory_space<hbm>>
        %dma_start3A_33 = arith.constant 0 : i32
        %dma_start3A_34 = tpu.memref_slice %arg3[%add3A_24, %dma_start3A_33] : memref<2528x128xi32, #tpu.memory_space<hbm>> -> memref<1x128xi32, #tpu.memory_space<hbm>>
        %dma_start3A_35 = tpu.memref_squeeze %dma_start3A_34 : memref<1x128xi32, #tpu.memory_space<hbm>> -> memref<128xi32, #tpu.memory_space<hbm>>
        tpu.enqueue_dma source(%dma_start3A_35 : memref<128xi32, #tpu.memory_space<hbm>>) target(%arg7 : memref<128xi32, #tpu.memory_space<vmem>>) target_semaphore(%run_scoped3A : memref<!tpu.dma_semaphore, #tpu.memory_space<semaphore_mem>>)
        %dma_wait3A_36 = arith.constant 0 : i32
        %dma_wait3A_37 = tpu.memref_slice %arg3[%add3A_24, %dma_wait3A_36] : memref<2528x128xi32, #tpu.memory_space<hbm>> -> memref<1x128xi32, #tpu.memory_space<hbm>>
        %dma_wait3A_38 = tpu.memref_squeeze %dma_wait3A_37 : memref<1x128xi32, #tpu.memory_space<hbm>> -> memref<128xi32, #tpu.memory_space<hbm>>
        %dma_wait3A_39 = arith.constant 0 : i32
        %dma_wait3A_40 = tpu.memref_slice %arg3[%add3A_24, %dma_wait3A_39] : memref<2528x128xi32, #tpu.memory_space<hbm>> -> memref<1x128xi32, #tpu.memory_space<hbm>>
        %dma_wait3A_41 = tpu.memref_squeeze %dma_wait3A_40 : memref<1x128xi32, #tpu.memory_space<hbm>> -> memref<128xi32, #tpu.memory_space<hbm>>
        tpu.wait_dma2 semaphore(%run_scoped3A : memref<!tpu.dma_semaphore, #tpu.memory_space<semaphore_mem>>) src(%dma_wait3A_41 : memref<128xi32, #tpu.memory_space<hbm>>) dst(%arg7 : memref<128xi32, #tpu.memory_space<vmem>>)
        tpu.yield
      }) : () -> ()
      %add3A_25 = arith.addi %select_n3A, %while3A_23 : i32
      "tpu.region"() ({
        %run_scoped3A = tpu.sem_alloc : memref<!tpu.dma_semaphore, #tpu.memory_space<semaphore_mem>>
        %dma_start3A_30 = arith.constant 0 : i32
        %dma_start3A_31 = tpu.memref_slice %arg4[%add3A_25, %dma_start3A_30] : memref<2528x128xi32, #tpu.memory_space<hbm>> -> memref<1x128xi32, #tpu.memory_space<hbm>>
        %dma_start3A_32 = tpu.memref_squeeze %dma_start3A_31 : memref<1x128xi32, #tpu.memory_space<hbm>> -> memref<128xi32, #tpu.memory_space<hbm>>
        %dma_start3A_33 = arith.constant 0 : i32
        %dma_start3A_34 = tpu.memref_slice %arg4[%add3A_25, %dma_start3A_33] : memref<2528x128xi32, #tpu.memory_space<hbm>> -> memref<1x128xi32, #tpu.memory_space<hbm>>
        %dma_start3A_35 = tpu.memref_squeeze %dma_start3A_34 : memref<1x128xi32, #tpu.memory_space<hbm>> -> memref<128xi32, #tpu.memory_space<hbm>>
        tpu.enqueue_dma source(%dma_start3A_35 : memref<128xi32, #tpu.memory_space<hbm>>) target(%arg8 : memref<128xi32, #tpu.memory_space<vmem>>) target_semaphore(%run_scoped3A : memref<!tpu.dma_semaphore, #tpu.memory_space<semaphore_mem>>)
        %dma_wait3A_36 = arith.constant 0 : i32
        %dma_wait3A_37 = tpu.memref_slice %arg4[%add3A_25, %dma_wait3A_36] : memref<2528x128xi32, #tpu.memory_space<hbm>> -> memref<1x128xi32, #tpu.memory_space<hbm>>
        %dma_wait3A_38 = tpu.memref_squeeze %dma_wait3A_37 : memref<1x128xi32, #tpu.memory_space<hbm>> -> memref<128xi32, #tpu.memory_space<hbm>>
        %dma_wait3A_39 = arith.constant 0 : i32
        %dma_wait3A_40 = tpu.memref_slice %arg4[%add3A_25, %dma_wait3A_39] : memref<2528x128xi32, #tpu.memory_space<hbm>> -> memref<1x128xi32, #tpu.memory_space<hbm>>
        %dma_wait3A_41 = tpu.memref_squeeze %dma_wait3A_40 : memref<1x128xi32, #tpu.memory_space<hbm>> -> memref<128xi32, #tpu.memory_space<hbm>>
        tpu.wait_dma2 semaphore(%run_scoped3A : memref<!tpu.dma_semaphore, #tpu.memory_space<semaphore_mem>>) src(%dma_wait3A_41 : memref<128xi32, #tpu.memory_space<hbm>>) dst(%arg8 : memref<128xi32, #tpu.memory_space<vmem>>)
        tpu.yield
      }) : () -> ()
      %dma_start3A = arith.constant 0 : i32
      %dma_start3A_26 = arith.constant 0 : i32
      %dma_start3A_27 = tpu.memref_slice %arg2[%dma_start3A, %dma_start3A_26] : memref<10000x128xf32, #tpu.memory_space<hbm>> -> memref<10000x128xf32, #tpu.memory_space<hbm>>
      tpu.enqueue_indirect_dma source(%dma_start3A_27 : memref<10000x128xf32, #tpu.memory_space<hbm>>) target(%arg9 : memref<128x128xf32, #tpu.memory_space<vmem>>) offsets(%arg7 : memref<128xi32, #tpu.memory_space<vmem>>) semaphore(%arg11 : memref<!tpu.dma_semaphore, #tpu.memory_space<semaphore_mem>>)
      %dma_wait3A = arith.constant 0 : i32
      %dma_wait3A_28 = arith.constant 0 : i32
      %dma_wait3A_29 = tpu.memref_slice %arg2[%dma_wait3A, %dma_wait3A_28] : memref<10000x128xf32, #tpu.memory_space<hbm>> -> memref<10000x128xf32, #tpu.memory_space<hbm>>
      tpu.wait_indirect_dma semaphore(%arg11 : memref<!tpu.dma_semaphore, #tpu.memory_space<semaphore_mem>>) src(%dma_wait3A_29 : memref<10000x128xf32, #tpu.memory_space<hbm>>) dst(%arg9 : memref<128x128xf32, #tpu.memory_space<vmem>>)
      "tpu.region"() ({
        %run_scoped3A = tpu.sem_alloc : memref<!tpu.dma_semaphore, #tpu.memory_space<semaphore_mem>>
        %dma_start3A_30 = arith.constant 0 : i32
        %dma_start3A_31 = arith.constant 0 : i32
        %dma_start3A_32 = tpu.memref_slice %arg10[%dma_start3A_30, %dma_start3A_31] : memref<10112x128xf32, #tpu.memory_space<vmem_shared>> -> memref<10112x128xf32, #tpu.memory_space<vmem_shared>>
        tpu.enqueue_indirect_dma source(%arg9 : memref<128x128xf32, #tpu.memory_space<vmem>>) target(%dma_start3A_32 : memref<10112x128xf32, #tpu.memory_space<vmem_shared>>) offsets(%arg8 : memref<128xi32, #tpu.memory_space<vmem>>) semaphore(%run_scoped3A : memref<!tpu.dma_semaphore, #tpu.memory_space<semaphore_mem>>) {add = true}
        %dma_wait3A_33 = arith.constant 0 : i32
        %dma_wait3A_34 = arith.constant 0 : i32
        %dma_wait3A_35 = tpu.memref_slice %arg10[%dma_wait3A_33, %dma_wait3A_34] : memref<10112x128xf32, #tpu.memory_space<vmem_shared>> -> memref<10112x128xf32, #tpu.memory_space<vmem_shared>>
        tpu.wait_indirect_dma semaphore(%run_scoped3A : memref<!tpu.dma_semaphore, #tpu.memory_space<semaphore_mem>>) src(%arg9 : memref<128x128xf32, #tpu.memory_space<vmem>>) dst(%dma_wait3A_35 : memref<10112x128xf32, #tpu.memory_space<vmem_shared>>)
        tpu.yield
      }) : () -> ()
    }
    %barrier3A_20 = arith.constant 0 : index
    tpu.barrier barrier_id(%barrier3A_20)
    %mul3A_21 = arith.constant 632 : i32
    %mul3A_22 = arith.muli %arg1, %mul3A_21 : i32
    "tpu.region"() ({
      %run_scoped3A = tpu.sem_alloc : memref<!tpu.dma_semaphore, #tpu.memory_space<semaphore_mem>>
      %dma_start3A = arith.constant 0 : i32
      %dma_start3A_23 = tpu.memref_slice %arg6[%arg0, %mul3A_22, %dma_start3A] : memref<2x10112x128xf32, #tpu.memory_space<hbm>> -> memref<1x632x128xf32, #tpu.memory_space<hbm>>
      %dma_start3A_24 = tpu.memref_squeeze %dma_start3A_23 : memref<1x632x128xf32, #tpu.memory_space<hbm>> -> memref<632x128xf32, #tpu.memory_space<hbm>>
      %dma_start3A_25 = arith.constant 0 : i32
      %dma_start3A_26 = tpu.memref_slice %arg10[%mul3A_22, %dma_start3A_25] : memref<10112x128xf32, #tpu.memory_space<vmem_shared>> -> memref<632x128xf32, #tpu.memory_space<vmem_shared>>
      tpu.enqueue_dma source(%dma_start3A_26 : memref<632x128xf32, #tpu.memory_space<vmem_shared>>) target(%dma_start3A_24 : memref<632x128xf32, #tpu.memory_space<hbm>>) target_semaphore(%run_scoped3A : memref<!tpu.dma_semaphore, #tpu.memory_space<semaphore_mem>>)
      %dma_wait3A = arith.constant 0 : i32
      %dma_wait3A_27 = tpu.memref_slice %arg6[%arg0, %mul3A_22, %dma_wait3A] : memref<2x10112x128xf32, #tpu.memory_space<hbm>> -> memref<1x632x128xf32, #tpu.memory_space<hbm>>
      %dma_wait3A_28 = tpu.memref_squeeze %dma_wait3A_27 : memref<1x632x128xf32, #tpu.memory_space<hbm>> -> memref<632x128xf32, #tpu.memory_space<hbm>>
      %dma_wait3A_29 = arith.constant 0 : i32
      %dma_wait3A_30 = tpu.memref_slice %arg10[%mul3A_22, %dma_wait3A_29] : memref<10112x128xf32, #tpu.memory_space<vmem_shared>> -> memref<632x128xf32, #tpu.memory_space<vmem_shared>>
      tpu.wait_dma2 semaphore(%run_scoped3A : memref<!tpu.dma_semaphore, #tpu.memory_space<semaphore_mem>>) src(%dma_wait3A_30 : memref<632x128xf32, #tpu.memory_space<vmem_shared>>) dst(%dma_wait3A_28 : memref<632x128xf32, #tpu.memory_space<hbm>>)
      tpu.yield
    }) : () -> ()
    return
  }
}

#map = affine_map<(d0, d1) -> (0, 0)>
#map1 = affine_map<(d0, d1) -> (0, 0, 0)>
module attributes {stable_mosaic.version = 14 : i64} {
  func.func @_sc_gather_scatter(%arg0: i32, %arg1: i32, %arg2: memref<10000x128xf32, #tpu.memory_space<hbm>>, %arg3: memref<2528x128xi32, #tpu.memory_space<hbm>>, %arg4: memref<2528x128xi32, #tpu.memory_space<hbm>>, %arg5: memref<632x128xf32, #tpu.memory_space<hbm>>, %arg6: memref<2x10112x128xf32, #tpu.memory_space<hbm>>, %arg7: memref<128xi32, #tpu.memory_space<vmem>>, %arg8: memref<128xi32, #tpu.memory_space<vmem>>, %arg9: memref<128x128xf32, #tpu.memory_space<vmem>>, %arg10: memref<10112x128xf32, #tpu.memory_space<vmem_shared>>, %arg11: memref<!tpu.dma_semaphore, #tpu.memory_space<semaphore_mem>>) attributes {dimension_semantics = [#tpu.dimension_semantics<core_parallel>, #tpu.dimension_semantics<subcore_parallel>], iteration_bounds = array<i64: 2, 16>, scalar_prefetch = 0 : i64, scratch_operands = 5 : i64, tpu.core_type = #tpu.core_type<sc_vector_subcore>, window_params = [{transform_indices = #map}, {transform_indices = #map}, {transform_indices = #map}, {transform_indices = #map}, {transform_indices = #map1}]} {
    %mul3A = arith.constant 632 : i32
    %mul3A_0 = arith.muli %arg1, %mul3A : i32
    "tpu.region"() ({
      %run_scoped3A = tpu.sem_alloc : memref<!tpu.dma_semaphore, #tpu.memory_space<semaphore_mem>>
      %dma_start3A = arith.constant 0 : i32
      %dma_start3A_23 = tpu.memref_slice %arg10[%mul3A_0, %dma_start3A] : memref<10112x128xf32, #tpu.memory_space<vmem_shared>> -> memref<632x128xf32, #tpu.memory_space<vmem_shared>>
      tpu.enqueue_dma source(%arg5 : memref<632x128xf32, #tpu.memory_space<hbm>>) target(%dma_start3A_23 : memref<632x128xf32, #tpu.memory_space<vmem_shared>>) target_semaphore(%run_scoped3A : memref<!tpu.dma_semaphore, #tpu.memory_space<semaphore_mem>>)
      %dma_wait3A = arith.constant 0 : i32
      %dma_wait3A_24 = tpu.memref_slice %arg10[%mul3A_0, %dma_wait3A] : memref<10112x128xf32, #tpu.memory_space<vmem_shared>> -> memref<632x128xf32, #tpu.memory_space<vmem_shared>>
      tpu.wait_dma2 semaphore(%run_scoped3A : memref<!tpu.dma_semaphore, #tpu.memory_space<semaphore_mem>>) src(%arg5 : memref<632x128xf32, #tpu.memory_space<hbm>>) dst(%dma_wait3A_24 : memref<632x128xf32, #tpu.memory_space<vmem_shared>>)
      tpu.yield
    }) : () -> ()
    %barrier3A = arith.constant 0 : index
    tpu.barrier barrier_id(%barrier3A)
    %eq3A = arith.constant 0 : i32
    %eq3A_1 = arith.cmpi eq, %arg0, %eq3A : i32
    %mul3A_2 = arith.constant 96 : i32
    %mul3A_3 = arith.muli %arg1, %mul3A_2 : i32
    %mul3A_4 = arith.constant 62 : i32
    %mul3A_5 = arith.muli %arg1, %mul3A_4 : i32
    %add3A = arith.constant 1536 : i32
    %add3A_6 = arith.addi %add3A, %mul3A_5 : i32
    %select_n3A = arith.select %eq3A_1, %mul3A_3, %add3A_6 : i32
    %eq3A_7 = arith.constant 0 : i32
    %eq3A_8 = arith.cmpi eq, %arg0, %eq3A_7 : i32
    %jit3A = arith.constant 96 : i32
    %jit3A_9 = arith.constant 62 : i32
    %select_n3A_10 = arith.select %eq3A_8, %jit3A, %jit3A_9 : i32
    %while3A = arith.constant 0 : i32
    %while3A_11 = arith.constant 0 : i32
    %while3A_12 = arith.subi %select_n3A_10, %while3A_11 : i32
    %while3A_13 = arith.addi %while3A_11, %while3A_12 : i32
    %while3A_14 = arith.constant 1 : i32
    %while3A_15 = arith.divsi %while3A_12, %while3A_14 : i32
    %while3A_16 = arith.muli %while3A_15, %while3A_14 : i32
    %while3A_17 = arith.addi %while3A_11, %while3A_16 : i32
    %while3A_18 = arith.constant 1 : i32
    scf.for %while3A_23 = %while3A_11 to %while3A_17 step %while3A_18  : i32 {
      %add3A_24 = arith.addi %select_n3A, %while3A_23 : i32
      "tpu.region"() ({
        %run_scoped3A = tpu.sem_alloc : memref<!tpu.dma_semaphore, #tpu.memory_space<semaphore_mem>>
        %dma_start3A_30 = arith.constant 0 : i32
        %dma_start3A_31 = tpu.memref_slice %arg3[%add3A_24, %dma_start3A_30] : memref<2528x128xi32, #tpu.memory_space<hbm>> -> memref<1x128xi32, #tpu.memory_space<hbm>>
        %dma_start3A_32 = tpu.memref_squeeze %dma_start3A_31 : memref<1x128xi32, #tpu.memory_space<hbm>> -> memref<128xi32, #tpu.memory_space<hbm>>
        %dma_start3A_33 = arith.constant 0 : i32
        %dma_start3A_34 = tpu.memref_slice %arg3[%add3A_24, %dma_start3A_33] : memref<2528x128xi32, #tpu.memory_space<hbm>> -> memref<1x128xi32, #tpu.memory_space<hbm>>
        %dma_start3A_35 = tpu.memref_squeeze %dma_start3A_34 : memref<1x128xi32, #tpu.memory_space<hbm>> -> memref<128xi32, #tpu.memory_space<hbm>>
        tpu.enqueue_dma source(%dma_start3A_35 : memref<128xi32, #tpu.memory_space<hbm>>) target(%arg7 : memref<128xi32, #tpu.memory_space<vmem>>) target_semaphore(%run_scoped3A : memref<!tpu.dma_semaphore, #tpu.memory_space<semaphore_mem>>)
        %dma_wait3A_36 = arith.constant 0 : i32
        %dma_wait3A_37 = tpu.memref_slice %arg3[%add3A_24, %dma_wait3A_36] : memref<2528x128xi32, #tpu.memory_space<hbm>> -> memref<1x128xi32, #tpu.memory_space<hbm>>
        %dma_wait3A_38 = tpu.memref_squeeze %dma_wait3A_37 : memref<1x128xi32, #tpu.memory_space<hbm>> -> memref<128xi32, #tpu.memory_space<hbm>>
        %dma_wait3A_39 = arith.constant 0 : i32
        %dma_wait3A_40 = tpu.memref_slice %arg3[%add3A_24, %dma_wait3A_39] : memref<2528x128xi32, #tpu.memory_space<hbm>> -> memref<1x128xi32, #tpu.memory_space<hbm>>
        %dma_wait3A_41 = tpu.memref_squeeze %dma_wait3A_40 : memref<1x128xi32, #tpu.memory_space<hbm>> -> memref<128xi32, #tpu.memory_space<hbm>>
        tpu.wait_dma2 semaphore(%run_scoped3A : memref<!tpu.dma_semaphore, #tpu.memory_space<semaphore_mem>>) src(%dma_wait3A_41 : memref<128xi32, #tpu.memory_space<hbm>>) dst(%arg7 : memref<128xi32, #tpu.memory_space<vmem>>)
        tpu.yield
      }) : () -> ()
      %add3A_25 = arith.addi %select_n3A, %while3A_23 : i32
      "tpu.region"() ({
        %run_scoped3A = tpu.sem_alloc : memref<!tpu.dma_semaphore, #tpu.memory_space<semaphore_mem>>
        %dma_start3A_30 = arith.constant 0 : i32
        %dma_start3A_31 = tpu.memref_slice %arg4[%add3A_25, %dma_start3A_30] : memref<2528x128xi32, #tpu.memory_space<hbm>> -> memref<1x128xi32, #tpu.memory_space<hbm>>
        %dma_start3A_32 = tpu.memref_squeeze %dma_start3A_31 : memref<1x128xi32, #tpu.memory_space<hbm>> -> memref<128xi32, #tpu.memory_space<hbm>>
        %dma_start3A_33 = arith.constant 0 : i32
        %dma_start3A_34 = tpu.memref_slice %arg4[%add3A_25, %dma_start3A_33] : memref<2528x128xi32, #tpu.memory_space<hbm>> -> memref<1x128xi32, #tpu.memory_space<hbm>>
        %dma_start3A_35 = tpu.memref_squeeze %dma_start3A_34 : memref<1x128xi32, #tpu.memory_space<hbm>> -> memref<128xi32, #tpu.memory_space<hbm>>
        tpu.enqueue_dma source(%dma_start3A_35 : memref<128xi32, #tpu.memory_space<hbm>>) target(%arg8 : memref<128xi32, #tpu.memory_space<vmem>>) target_semaphore(%run_scoped3A : memref<!tpu.dma_semaphore, #tpu.memory_space<semaphore_mem>>)
        %dma_wait3A_36 = arith.constant 0 : i32
        %dma_wait3A_37 = tpu.memref_slice %arg4[%add3A_25, %dma_wait3A_36] : memref<2528x128xi32, #tpu.memory_space<hbm>> -> memref<1x128xi32, #tpu.memory_space<hbm>>
        %dma_wait3A_38 = tpu.memref_squeeze %dma_wait3A_37 : memref<1x128xi32, #tpu.memory_space<hbm>> -> memref<128xi32, #tpu.memory_space<hbm>>
        %dma_wait3A_39 = arith.constant 0 : i32
        %dma_wait3A_40 = tpu.memref_slice %arg4[%add3A_25, %dma_wait3A_39] : memref<2528x128xi32, #tpu.memory_space<hbm>> -> memref<1x128xi32, #tpu.memory_space<hbm>>
        %dma_wait3A_41 = tpu.memref_squeeze %dma_wait3A_40 : memref<1x128xi32, #tpu.memory_space<hbm>> -> memref<128xi32, #tpu.memory_space<hbm>>
        tpu.wait_dma2 semaphore(%run_scoped3A : memref<!tpu.dma_semaphore, #tpu.memory_space<semaphore_mem>>) src(%dma_wait3A_41 : memref<128xi32, #tpu.memory_space<hbm>>) dst(%arg8 : memref<128xi32, #tpu.memory_space<vmem>>)
        tpu.yield
      }) : () -> ()
      %dma_start3A = arith.constant 0 : i32
      %dma_start3A_26 = arith.constant 0 : i32
      %dma_start3A_27 = tpu.memref_slice %arg2[%dma_start3A, %dma_start3A_26] : memref<10000x128xf32, #tpu.memory_space<hbm>> -> memref<10000x128xf32, #tpu.memory_space<hbm>>
      tpu.enqueue_indirect_dma source(%dma_start3A_27 : memref<10000x128xf32, #tpu.memory_space<hbm>>) target(%arg9 : memref<128x128xf32, #tpu.memory_space<vmem>>) offsets(%arg7 : memref<128xi32, #tpu.memory_space<vmem>>) semaphore(%arg11 : memref<!tpu.dma_semaphore, #tpu.memory_space<semaphore_mem>>)
      %dma_wait3A = arith.constant 0 : i32
      %dma_wait3A_28 = arith.constant 0 : i32
      %dma_wait3A_29 = tpu.memref_slice %arg2[%dma_wait3A, %dma_wait3A_28] : memref<10000x128xf32, #tpu.memory_space<hbm>> -> memref<10000x128xf32, #tpu.memory_space<hbm>>
      tpu.wait_indirect_dma semaphore(%arg11 : memref<!tpu.dma_semaphore, #tpu.memory_space<semaphore_mem>>) src(%dma_wait3A_29 : memref<10000x128xf32, #tpu.memory_space<hbm>>) dst(%arg9 : memref<128x128xf32, #tpu.memory_space<vmem>>)
      "tpu.region"() ({
        %run_scoped3A = tpu.sem_alloc : memref<!tpu.dma_semaphore, #tpu.memory_space<semaphore_mem>>
        %dma_start3A_30 = arith.constant 0 : i32
        %dma_start3A_31 = arith.constant 0 : i32
        %dma_start3A_32 = tpu.memref_slice %arg10[%dma_start3A_30, %dma_start3A_31] : memref<10112x128xf32, #tpu.memory_space<vmem_shared>> -> memref<10112x128xf32, #tpu.memory_space<vmem_shared>>
        tpu.enqueue_indirect_dma source(%arg9 : memref<128x128xf32, #tpu.memory_space<vmem>>) target(%dma_start3A_32 : memref<10112x128xf32, #tpu.memory_space<vmem_shared>>) offsets(%arg8 : memref<128xi32, #tpu.memory_space<vmem>>) semaphore(%run_scoped3A : memref<!tpu.dma_semaphore, #tpu.memory_space<semaphore_mem>>) {add = true}
        %dma_wait3A_33 = arith.constant 0 : i32
        %dma_wait3A_34 = arith.constant 0 : i32
        %dma_wait3A_35 = tpu.memref_slice %arg10[%dma_wait3A_33, %dma_wait3A_34] : memref<10112x128xf32, #tpu.memory_space<vmem_shared>> -> memref<10112x128xf32, #tpu.memory_space<vmem_shared>>
        tpu.wait_indirect_dma semaphore(%run_scoped3A : memref<!tpu.dma_semaphore, #tpu.memory_space<semaphore_mem>>) src(%arg9 : memref<128x128xf32, #tpu.memory_space<vmem>>) dst(%dma_wait3A_35 : memref<10112x128xf32, #tpu.memory_space<vmem_shared>>)
        tpu.yield
      }) : () -> ()
    }
    %while3A_19 = arith.constant 1 : i32
    scf.for %while3A_23 = %while3A_17 to %while3A_13 step %while3A_19  : i32 {
      %add3A_24 = arith.addi %select_n3A, %while3A_23 : i32
      "tpu.region"() ({
        %run_scoped3A = tpu.sem_alloc : memref<!tpu.dma_semaphore, #tpu.memory_space<semaphore_mem>>
        %dma_start3A_30 = arith.constant 0 : i32
        %dma_start3A_31 = tpu.memref_slice %arg3[%add3A_24, %dma_start3A_30] : memref<2528x128xi32, #tpu.memory_space<hbm>> -> memref<1x128xi32, #tpu.memory_space<hbm>>
        %dma_start3A_32 = tpu.memref_squeeze %dma_start3A_31 : memref<1x128xi32, #tpu.memory_space<hbm>> -> memref<128xi32, #tpu.memory_space<hbm>>
        %dma_start3A_33 = arith.constant 0 : i32
        %dma_start3A_34 = tpu.memref_slice %arg3[%add3A_24, %dma_start3A_33] : memref<2528x128xi32, #tpu.memory_space<hbm>> -> memref<1x128xi32, #tpu.memory_space<hbm>>
        %dma_start3A_35 = tpu.memref_squeeze %dma_start3A_34 : memref<1x128xi32, #tpu.memory_space<hbm>> -> memref<128xi32, #tpu.memory_space<hbm>>
        tpu.enqueue_dma source(%dma_start3A_35 : memref<128xi32, #tpu.memory_space<hbm>>) target(%arg7 : memref<128xi32, #tpu.memory_space<vmem>>) target_semaphore(%run_scoped3A : memref<!tpu.dma_semaphore, #tpu.memory_space<semaphore_mem>>)
        %dma_wait3A_36 = arith.constant 0 : i32
        %dma_wait3A_37 = tpu.memref_slice %arg3[%add3A_24, %dma_wait3A_36] : memref<2528x128xi32, #tpu.memory_space<hbm>> -> memref<1x128xi32, #tpu.memory_space<hbm>>
        %dma_wait3A_38 = tpu.memref_squeeze %dma_wait3A_37 : memref<1x128xi32, #tpu.memory_space<hbm>> -> memref<128xi32, #tpu.memory_space<hbm>>
        %dma_wait3A_39 = arith.constant 0 : i32
        %dma_wait3A_40 = tpu.memref_slice %arg3[%add3A_24, %dma_wait3A_39] : memref<2528x128xi32, #tpu.memory_space<hbm>> -> memref<1x128xi32, #tpu.memory_space<hbm>>
        %dma_wait3A_41 = tpu.memref_squeeze %dma_wait3A_40 : memref<1x128xi32, #tpu.memory_space<hbm>> -> memref<128xi32, #tpu.memory_space<hbm>>
        tpu.wait_dma2 semaphore(%run_scoped3A : memref<!tpu.dma_semaphore, #tpu.memory_space<semaphore_mem>>) src(%dma_wait3A_41 : memref<128xi32, #tpu.memory_space<hbm>>) dst(%arg7 : memref<128xi32, #tpu.memory_space<vmem>>)
        tpu.yield
      }) : () -> ()
      %add3A_25 = arith.addi %select_n3A, %while3A_23 : i32
      "tpu.region"() ({
        %run_scoped3A = tpu.sem_alloc : memref<!tpu.dma_semaphore, #tpu.memory_space<semaphore_mem>>
        %dma_start3A_30 = arith.constant 0 : i32
        %dma_start3A_31 = tpu.memref_slice %arg4[%add3A_25, %dma_start3A_30] : memref<2528x128xi32, #tpu.memory_space<hbm>> -> memref<1x128xi32, #tpu.memory_space<hbm>>
        %dma_start3A_32 = tpu.memref_squeeze %dma_start3A_31 : memref<1x128xi32, #tpu.memory_space<hbm>> -> memref<128xi32, #tpu.memory_space<hbm>>
        %dma_start3A_33 = arith.constant 0 : i32
        %dma_start3A_34 = tpu.memref_slice %arg4[%add3A_25, %dma_start3A_33] : memref<2528x128xi32, #tpu.memory_space<hbm>> -> memref<1x128xi32, #tpu.memory_space<hbm>>
        %dma_start3A_35 = tpu.memref_squeeze %dma_start3A_34 : memref<1x128xi32, #tpu.memory_space<hbm>> -> memref<128xi32, #tpu.memory_space<hbm>>
        tpu.enqueue_dma source(%dma_start3A_35 : memref<128xi32, #tpu.memory_space<hbm>>) target(%arg8 : memref<128xi32, #tpu.memory_space<vmem>>) target_semaphore(%run_scoped3A : memref<!tpu.dma_semaphore, #tpu.memory_space<semaphore_mem>>)
        %dma_wait3A_36 = arith.constant 0 : i32
        %dma_wait3A_37 = tpu.memref_slice %arg4[%add3A_25, %dma_wait3A_36] : memref<2528x128xi32, #tpu.memory_space<hbm>> -> memref<1x128xi32, #tpu.memory_space<hbm>>
        %dma_wait3A_38 = tpu.memref_squeeze %dma_wait3A_37 : memref<1x128xi32, #tpu.memory_space<hbm>> -> memref<128xi32, #tpu.memory_space<hbm>>
        %dma_wait3A_39 = arith.constant 0 : i32
        %dma_wait3A_40 = tpu.memref_slice %arg4[%add3A_25, %dma_wait3A_39] : memref<2528x128xi32, #tpu.memory_space<hbm>> -> memref<1x128xi32, #tpu.memory_space<hbm>>
        %dma_wait3A_41 = tpu.memref_squeeze %dma_wait3A_40 : memref<1x128xi32, #tpu.memory_space<hbm>> -> memref<128xi32, #tpu.memory_space<hbm>>
        tpu.wait_dma2 semaphore(%run_scoped3A : memref<!tpu.dma_semaphore, #tpu.memory_space<semaphore_mem>>) src(%dma_wait3A_41 : memref<128xi32, #tpu.memory_space<hbm>>) dst(%arg8 : memref<128xi32, #tpu.memory_space<vmem>>)
        tpu.yield
      }) : () -> ()
      %dma_start3A = arith.constant 0 : i32
      %dma_start3A_26 = arith.constant 0 : i32
      %dma_start3A_27 = tpu.memref_slice %arg2[%dma_start3A, %dma_start3A_26] : memref<10000x128xf32, #tpu.memory_space<hbm>> -> memref<10000x128xf32, #tpu.memory_space<hbm>>
      tpu.enqueue_indirect_dma source(%dma_start3A_27 : memref<10000x128xf32, #tpu.memory_space<hbm>>) target(%arg9 : memref<128x128xf32, #tpu.memory_space<vmem>>) offsets(%arg7 : memref<128xi32, #tpu.memory_space<vmem>>) semaphore(%arg11 : memref<!tpu.dma_semaphore, #tpu.memory_space<semaphore_mem>>)
      %dma_wait3A = arith.constant 0 : i32
      %dma_wait3A_28 = arith.constant 0 : i32
      %dma_wait3A_29 = tpu.memref_slice %arg2[%dma_wait3A, %dma_wait3A_28] : memref<10000x128xf32, #tpu.memory_space<hbm>> -> memref<10000x128xf32, #tpu.memory_space<hbm>>
      tpu.wait_indirect_dma semaphore(%arg11 : memref<!tpu.dma_semaphore, #tpu.memory_space<semaphore_mem>>) src(%dma_wait3A_29 : memref<10000x128xf32, #tpu.memory_space<hbm>>) dst(%arg9 : memref<128x128xf32, #tpu.memory_space<vmem>>)
      "tpu.region"() ({
        %run_scoped3A = tpu.sem_alloc : memref<!tpu.dma_semaphore, #tpu.memory_space<semaphore_mem>>
        %dma_start3A_30 = arith.constant 0 : i32
        %dma_start3A_31 = arith.constant 0 : i32
        %dma_start3A_32 = tpu.memref_slice %arg10[%dma_start3A_30, %dma_start3A_31] : memref<10112x128xf32, #tpu.memory_space<vmem_shared>> -> memref<10112x128xf32, #tpu.memory_space<vmem_shared>>
        tpu.enqueue_indirect_dma source(%arg9 : memref<128x128xf32, #tpu.memory_space<vmem>>) target(%dma_start3A_32 : memref<10112x128xf32, #tpu.memory_space<vmem_shared>>) offsets(%arg8 : memref<128xi32, #tpu.memory_space<vmem>>) semaphore(%run_scoped3A : memref<!tpu.dma_semaphore, #tpu.memory_space<semaphore_mem>>) {add = true}
        %dma_wait3A_33 = arith.constant 0 : i32
        %dma_wait3A_34 = arith.constant 0 : i32
        %dma_wait3A_35 = tpu.memref_slice %arg10[%dma_wait3A_33, %dma_wait3A_34] : memref<10112x128xf32, #tpu.memory_space<vmem_shared>> -> memref<10112x128xf32, #tpu.memory_space<vmem_shared>>
        tpu.wait_indirect_dma semaphore(%run_scoped3A : memref<!tpu.dma_semaphore, #tpu.memory_space<semaphore_mem>>) src(%arg9 : memref<128x128xf32, #tpu.memory_space<vmem>>) dst(%dma_wait3A_35 : memref<10112x128xf32, #tpu.memory_space<vmem_shared>>)
        tpu.yield
      }) : () -> ()
    }
    %barrier3A_20 = arith.constant 0 : index
    tpu.barrier barrier_id(%barrier3A_20)
    %mul3A_21 = arith.constant 632 : i32
    %mul3A_22 = arith.muli %arg1, %mul3A_21 : i32
    "tpu.region"() ({
      %run_scoped3A = tpu.sem_alloc : memref<!tpu.dma_semaphore, #tpu.memory_space<semaphore_mem>>
      %dma_start3A = arith.constant 0 : i32
      %dma_start3A_23 = tpu.memref_slice %arg6[%arg0, %mul3A_22, %dma_start3A] : memref<2x10112x128xf32, #tpu.memory_space<hbm>> -> memref<1x632x128xf32, #tpu.memory_space<hbm>>
      %dma_start3A_24 = tpu.memref_squeeze %dma_start3A_23 : memref<1x632x128xf32, #tpu.memory_space<hbm>> -> memref<632x128xf32, #tpu.memory_space<hbm>>
      %dma_start3A_25 = arith.constant 0 : i32
      %dma_start3A_26 = tpu.memref_slice %arg10[%mul3A_22, %dma_start3A_25] : memref<10112x128xf32, #tpu.memory_space<vmem_shared>> -> memref<632x128xf32, #tpu.memory_space<vmem_shared>>
      tpu.enqueue_dma source(%dma_start3A_26 : memref<632x128xf32, #tpu.memory_space<vmem_shared>>) target(%dma_start3A_24 : memref<632x128xf32, #tpu.memory_space<hbm>>) target_semaphore(%run_scoped3A : memref<!tpu.dma_semaphore, #tpu.memory_space<semaphore_mem>>)
      %dma_wait3A = arith.constant 0 : i32
      %dma_wait3A_27 = tpu.memref_slice %arg6[%arg0, %mul3A_22, %dma_wait3A] : memref<2x10112x128xf32, #tpu.memory_space<hbm>> -> memref<1x632x128xf32, #tpu.memory_space<hbm>>
      %dma_wait3A_28 = tpu.memref_squeeze %dma_wait3A_27 : memref<1x632x128xf32, #tpu.memory_space<hbm>> -> memref<632x128xf32, #tpu.memory_space<hbm>>
      %dma_wait3A_29 = arith.constant 0 : i32
      %dma_wait3A_30 = tpu.memref_slice %arg10[%mul3A_22, %dma_wait3A_29] : memref<10112x128xf32, #tpu.memory_space<vmem_shared>> -> memref<632x128xf32, #tpu.memory_space<vmem_shared>>
      tpu.wait_dma2 semaphore(%run_scoped3A : memref<!tpu.dma_semaphore, #tpu.memory_space<semaphore_mem>>) src(%dma_wait3A_30 : memref<632x128xf32, #tpu.memory_space<vmem_shared>>) dst(%dma_wait3A_28 : memref<632x128xf32, #tpu.memory_space<hbm>>)
      tpu.yield
    }) : () -> ()
    return
  }
}

module attributes {stable_mosaic.version = 14 : i64} {
  func.func @_stage1_body(%arg0: i32, %arg1: memref<1000x128xf32, #tpu.memory_space<vmem>>, %arg2: memref<128x128xf32, #tpu.memory_space<vmem>>, %arg3: memref<1x128xf32, #tpu.memory_space<vmem>>, %arg4: memref<1x128xf32, #tpu.memory_space<vmem>>, %arg5: memref<1x128xf32, #tpu.memory_space<vmem>>, %arg6: memref<128x128xf32, #tpu.memory_space<vmem>>, %arg7: memref<1x128xf32, #tpu.memory_space<vmem>>, %arg8: memref<1x128xf32, #tpu.memory_space<vmem>>, %arg9: memref<1x128xf32, #tpu.memory_space<vmem>>, %arg10: memref<128x128xf32, #tpu.memory_space<vmem>>, %arg11: memref<1000x128xf32, #tpu.memory_space<vmem>>, %arg12: memref<1000x128xf32, #tpu.memory_space<vmem>>, %arg13: memref<1000x128xf32, #tpu.memory_space<vmem>>) attributes {dimension_semantics = [#tpu.dimension_semantics<arbitrary>], iteration_bounds = array<i64: 10>, scalar_prefetch = 0 : i64, scratch_operands = 0 : i64, tpu.core_type = #tpu.core_type<tc>, window_params = [{transform_indices = @transform_0, window_bounds = array<i64: 1000, 128>}, {pipeline_mode = #tpu.pipeline_mode<synchronous>, transform_indices = @transform_1, window_bounds = array<i64: 128, 128>}, {pipeline_mode = #tpu.pipeline_mode<synchronous>, transform_indices = @transform_2, window_bounds = array<i64: 1, 128>}, {pipeline_mode = #tpu.pipeline_mode<synchronous>, transform_indices = @transform_3, window_bounds = array<i64: 1, 128>}, {pipeline_mode = #tpu.pipeline_mode<synchronous>, transform_indices = @transform_4, window_bounds = array<i64: 1, 128>}, {pipeline_mode = #tpu.pipeline_mode<synchronous>, transform_indices = @transform_5, window_bounds = array<i64: 128, 128>}, {pipeline_mode = #tpu.pipeline_mode<synchronous>, transform_indices = @transform_6, window_bounds = array<i64: 1, 128>}, {pipeline_mode = #tpu.pipeline_mode<synchronous>, transform_indices = @transform_7, window_bounds = array<i64: 1, 128>}, {pipeline_mode = #tpu.pipeline_mode<synchronous>, transform_indices = @transform_8, window_bounds = array<i64: 1, 128>}, {pipeline_mode = #tpu.pipeline_mode<synchronous>, transform_indices = @transform_9, window_bounds = array<i64: 128, 128>}, {transform_indices = @transform_10, window_bounds = array<i64: 1000, 128>}, {transform_indices = @transform_11, window_bounds = array<i64: 1000, 128>}, {transform_indices = @transform_12, window_bounds = array<i64: 1000, 128>}]} {
    %get3A = arith.constant 0 : index
    %get3A_0 = arith.constant 0 : index
    %get3A_1 = vector.load %arg1[%get3A, %get3A_0] : memref<1000x128xf32, #tpu.memory_space<vmem>>, vector<1000x128xf32>
    %get3A_2 = arith.constant 0 : index
    %get3A_3 = arith.constant 0 : index
    %get3A_4 = vector.load %arg2[%get3A_2, %get3A_3] : memref<128x128xf32, #tpu.memory_space<vmem>>, vector<128x128xf32>
    %get3A_5 = arith.constant 0 : index
    %get3A_6 = arith.constant 0 : index
    %get3A_7 = vector.load %arg3[%get3A_5, %get3A_6] : memref<1x128xf32, #tpu.memory_space<vmem>>, vector<1x128xf32>
    %dot_general3A = arith.constant dense<0.000000e+00> : vector<1000x128xf32>
    %dot_general3A_8 = tpu.matmul %get3A_1, %get3A_4, %dot_general3A {dimension_numbers = #tpu.dot_dimension_numbers<[1], [0], [0], [1], [0, 0, 1, 1], [], []>, transpose_lhs_hint = false} : vector<1000x128xf32>, vector<128x128xf32>, vector<1000x128xf32> -> vector<1000x128xf32>
    %add3A = vector.broadcast %get3A_7 : vector<1x128xf32> to vector<1000x128xf32>
    %add3A_9 = arith.addf %dot_general3A_8, %add3A : vector<1000x128xf32>
    %get3A_10 = arith.constant 0 : index
    %get3A_11 = arith.constant 0 : index
    %get3A_12 = vector.load %arg4[%get3A_10, %get3A_11] : memref<1x128xf32, #tpu.memory_space<vmem>>, vector<1x128xf32>
    %get3A_13 = arith.constant 0 : index
    %get3A_14 = arith.constant 0 : index
    %get3A_15 = vector.load %arg5[%get3A_13, %get3A_14] : memref<1x128xf32, #tpu.memory_space<vmem>>, vector<1x128xf32>
    %get3A_16 = arith.constant 0 : index
    %get3A_17 = arith.constant 0 : index
    %get3A_18 = vector.load %arg6[%get3A_16, %get3A_17] : memref<128x128xf32, #tpu.memory_space<vmem>>, vector<128x128xf32>
    %get3A_19 = arith.constant 0 : index
    %get3A_20 = arith.constant 0 : index
    %get3A_21 = vector.load %arg7[%get3A_19, %get3A_20] : memref<1x128xf32, #tpu.memory_space<vmem>>, vector<1x128xf32>
    %get3A_22 = arith.constant 0 : index
    %get3A_23 = arith.constant 0 : index
    %get3A_24 = vector.load %arg8[%get3A_22, %get3A_23] : memref<1x128xf32, #tpu.memory_space<vmem>>, vector<1x128xf32>
    %get3A_25 = arith.constant 0 : index
    %get3A_26 = arith.constant 0 : index
    %get3A_27 = vector.load %arg9[%get3A_25, %get3A_26] : memref<1x128xf32, #tpu.memory_space<vmem>>, vector<1x128xf32>
    %get3A_28 = arith.constant 0 : index
    %get3A_29 = arith.constant 0 : index
    %get3A_30 = vector.load %arg10[%get3A_28, %get3A_29] : memref<128x128xf32, #tpu.memory_space<vmem>>, vector<128x128xf32>
    %reduce_sum3A = arith.constant dense<0.000000e+00> : vector<1000xf32>
    %reduce_sum3A_31 = vector.multi_reduction <add>, %add3A_9, %reduce_sum3A [1] : vector<1000x128xf32> to vector<1000xf32>
    %broadcast_in_dim3A = vector.shape_cast %reduce_sum3A_31 : vector<1000xf32> to vector<1000x1xf32>
    %div3A = arith.constant 1.280000e+02 : f32
    %div3A_32 = vector.broadcast %div3A : f32 to vector<1000x1xf32>
    %div3A_33 = arith.divf %broadcast_in_dim3A, %div3A_32 : vector<1000x1xf32>
    %jit3A = arith.constant 0 : i32
    %reduce_sum3A_34 = arith.constant dense<0.000000e+00> : vector<1000xf32>
    %reduce_sum3A_35 = vector.multi_reduction <add>, %add3A_9, %reduce_sum3A_34 [1] : vector<1000x128xf32> to vector<1000xf32>
    %broadcast_in_dim3A_36 = vector.shape_cast %reduce_sum3A_35 : vector<1000xf32> to vector<1000x1xf32>
    %div3A_37 = arith.constant 1.280000e+02 : f32
    %div3A_38 = vector.broadcast %div3A_37 : f32 to vector<1000x1xf32>
    %div3A_39 = arith.divf %broadcast_in_dim3A_36, %div3A_38 : vector<1000x1xf32>
    %sub3A = vector.broadcast %div3A_39 : vector<1000x1xf32> to vector<1000x128xf32>
    %sub3A_40 = arith.subf %add3A_9, %sub3A : vector<1000x128xf32>
    %square3A = arith.mulf %sub3A_40, %sub3A_40 : vector<1000x128xf32>
    %convert_element_type3A = arith.sitofp %jit3A : i32 to f32
    %sub3A_41 = arith.constant 1.280000e+02 : f32
    %sub3A_42 = arith.subf %sub3A_41, %convert_element_type3A : f32
    %reduce_sum3A_43 = arith.constant dense<0.000000e+00> : vector<1000xf32>
    %reduce_sum3A_44 = vector.multi_reduction <add>, %square3A, %reduce_sum3A_43 [1] : vector<1000x128xf32> to vector<1000xf32>
    %broadcast_in_dim3A_45 = vector.shape_cast %reduce_sum3A_44 : vector<1000xf32> to vector<1000x1xf32>
    %div3A_46 = vector.broadcast %sub3A_42 : f32 to vector<1000x1xf32>
    %div3A_47 = arith.divf %broadcast_in_dim3A_45, %div3A_46 : vector<1000x1xf32>
    %gt3A = arith.constant 0.000000e+00 : f32
    %gt3A_48 = arith.cmpf ogt, %sub3A_42, %gt3A : f32
    %jit3A_49 = arith.constant 0x7FC00000 : f32
    %broadcast_in_dim3A_50 = vector.broadcast %jit3A_49 : f32 to vector<1000x1xf32>
    %select_n3A = arith.select %gt3A_48, %div3A_47, %broadcast_in_dim3A_50 : vector<1000x1xf32>
    %sub3A_51 = vector.broadcast %div3A_33 : vector<1000x1xf32> to vector<1000x128xf32>
    %sub3A_52 = arith.subf %add3A_9, %sub3A_51 : vector<1000x128xf32>
    %add3A_53 = arith.constant 9.99999974E-6 : f32
    %add3A_54 = vector.broadcast %add3A_53 : f32 to vector<1000x1xf32>
    %add3A_55 = arith.addf %select_n3A, %add3A_54 : vector<1000x1xf32>
    %sqrt3A = math.sqrt %add3A_55 : vector<1000x1xf32>
    %div3A_56 = vector.broadcast %sqrt3A : vector<1000x1xf32> to vector<1000x128xf32>
    %div3A_57 = arith.divf %sub3A_52, %div3A_56 : vector<1000x128xf32>
    %mul3A = vector.broadcast %get3A_12 : vector<1x128xf32> to vector<1000x128xf32>
    %mul3A_58 = arith.mulf %div3A_57, %mul3A : vector<1000x128xf32>
    %add3A_59 = vector.broadcast %get3A_15 : vector<1x128xf32> to vector<1000x128xf32>
    %add3A_60 = arith.addf %mul3A_58, %add3A_59 : vector<1000x128xf32>
    %dot_general3A_61 = arith.constant dense<0.000000e+00> : vector<1000x128xf32>
    %dot_general3A_62 = tpu.matmul %add3A_60, %get3A_18, %dot_general3A_61 {dimension_numbers = #tpu.dot_dimension_numbers<[1], [0], [0], [1], [0, 0, 1, 1], [], []>, transpose_lhs_hint = false} : vector<1000x128xf32>, vector<128x128xf32>, vector<1000x128xf32> -> vector<1000x128xf32>
    %add3A_63 = vector.broadcast %get3A_21 : vector<1x128xf32> to vector<1000x128xf32>
    %add3A_64 = arith.addf %dot_general3A_62, %add3A_63 : vector<1000x128xf32>
    %mul3A_65 = arith.constant 5.000000e-01 : f32
    %mul3A_66 = vector.broadcast %mul3A_65 : f32 to vector<1000x128xf32>
    %mul3A_67 = arith.mulf %mul3A_66, %add3A_64 : vector<1000x128xf32>
    %mul3A_68 = arith.constant 0.707106769 : f32
    %mul3A_69 = vector.broadcast %mul3A_68 : f32 to vector<1000x128xf32>
    %mul3A_70 = arith.mulf %add3A_64, %mul3A_69 : vector<1000x128xf32>
    %erf3A = math.erf %mul3A_70 : vector<1000x128xf32>
    %add3A_71 = arith.constant 1.000000e+00 : f32
    %add3A_72 = vector.broadcast %add3A_71 : f32 to vector<1000x128xf32>
    %add3A_73 = arith.addf %add3A_72, %erf3A : vector<1000x128xf32>
    %mul3A_74 = arith.mulf %mul3A_67, %add3A_73 : vector<1000x128xf32>
    %reduce_sum3A_75 = arith.constant dense<0.000000e+00> : vector<1000xf32>
    %reduce_sum3A_76 = vector.multi_reduction <add>, %mul3A_74, %reduce_sum3A_75 [1] : vector<1000x128xf32> to vector<1000xf32>
    %broadcast_in_dim3A_77 = vector.shape_cast %reduce_sum3A_76 : vector<1000xf32> to vector<1000x1xf32>
    %div3A_78 = arith.constant 1.280000e+02 : f32
    %div3A_79 = vector.broadcast %div3A_78 : f32 to vector<1000x1xf32>
    %div3A_80 = arith.divf %broadcast_in_dim3A_77, %div3A_79 : vector<1000x1xf32>
    %jit3A_81 = arith.constant 0 : i32
    %reduce_sum3A_82 = arith.constant dense<0.000000e+00> : vector<1000xf32>
    %reduce_sum3A_83 = vector.multi_reduction <add>, %mul3A_74, %reduce_sum3A_82 [1] : vector<1000x128xf32> to vector<1000xf32>
    %broadcast_in_dim3A_84 = vector.shape_cast %reduce_sum3A_83 : vector<1000xf32> to vector<1000x1xf32>
    %div3A_85 = arith.constant 1.280000e+02 : f32
    %div3A_86 = vector.broadcast %div3A_85 : f32 to vector<1000x1xf32>
    %div3A_87 = arith.divf %broadcast_in_dim3A_84, %div3A_86 : vector<1000x1xf32>
    %sub3A_88 = vector.broadcast %div3A_87 : vector<1000x1xf32> to vector<1000x128xf32>
    %sub3A_89 = arith.subf %mul3A_74, %sub3A_88 : vector<1000x128xf32>
    %square3A_90 = arith.mulf %sub3A_89, %sub3A_89 : vector<1000x128xf32>
    %convert_element_type3A_91 = arith.sitofp %jit3A_81 : i32 to f32
    %sub3A_92 = arith.constant 1.280000e+02 : f32
    %sub3A_93 = arith.subf %sub3A_92, %convert_element_type3A_91 : f32
    %reduce_sum3A_94 = arith.constant dense<0.000000e+00> : vector<1000xf32>
    %reduce_sum3A_95 = vector.multi_reduction <add>, %square3A_90, %reduce_sum3A_94 [1] : vector<1000x128xf32> to vector<1000xf32>
    %broadcast_in_dim3A_96 = vector.shape_cast %reduce_sum3A_95 : vector<1000xf32> to vector<1000x1xf32>
    %div3A_97 = vector.broadcast %sub3A_93 : f32 to vector<1000x1xf32>
    %div3A_98 = arith.divf %broadcast_in_dim3A_96, %div3A_97 : vector<1000x1xf32>
    %gt3A_99 = arith.constant 0.000000e+00 : f32
    %gt3A_100 = arith.cmpf ogt, %sub3A_93, %gt3A_99 : f32
    %jit3A_101 = arith.constant 0x7FC00000 : f32
    %broadcast_in_dim3A_102 = vector.broadcast %jit3A_101 : f32 to vector<1000x1xf32>
    %select_n3A_103 = arith.select %gt3A_100, %div3A_98, %broadcast_in_dim3A_102 : vector<1000x1xf32>
    %sub3A_104 = vector.broadcast %div3A_80 : vector<1000x1xf32> to vector<1000x128xf32>
    %sub3A_105 = arith.subf %mul3A_74, %sub3A_104 : vector<1000x128xf32>
    %add3A_106 = arith.constant 9.99999974E-6 : f32
    %add3A_107 = vector.broadcast %add3A_106 : f32 to vector<1000x1xf32>
    %add3A_108 = arith.addf %select_n3A_103, %add3A_107 : vector<1000x1xf32>
    %sqrt3A_109 = math.sqrt %add3A_108 : vector<1000x1xf32>
    %div3A_110 = vector.broadcast %sqrt3A_109 : vector<1000x1xf32> to vector<1000x128xf32>
    %div3A_111 = arith.divf %sub3A_105, %div3A_110 : vector<1000x128xf32>
    %mul3A_112 = vector.broadcast %get3A_24 : vector<1x128xf32> to vector<1000x128xf32>
    %mul3A_113 = arith.mulf %div3A_111, %mul3A_112 : vector<1000x128xf32>
    %add3A_114 = vector.broadcast %get3A_27 : vector<1x128xf32> to vector<1000x128xf32>
    %add3A_115 = arith.addf %mul3A_113, %add3A_114 : vector<1000x128xf32>
    %dot_general3A_116 = arith.constant dense<0.000000e+00> : vector<1000x128xf32>
    %dot_general3A_117 = tpu.matmul %add3A_115, %get3A_30, %dot_general3A_116 {dimension_numbers = #tpu.dot_dimension_numbers<[1], [0], [0], [1], [0, 0, 1, 1], [], []>, transpose_lhs_hint = false} : vector<1000x128xf32>, vector<128x128xf32>, vector<1000x128xf32> -> vector<1000x128xf32>
    %swap3A = arith.constant 0 : index
    %swap3A_118 = arith.constant 0 : index
    %swap3A_119 = vector.load %arg11[%swap3A, %swap3A_118] : memref<1000x128xf32, #tpu.memory_space<vmem>>, vector<1000x128xf32>
    tpu.vector_store %arg11[%swap3A, %swap3A_118], %add3A_9 {strides = array<i32>} : memref<1000x128xf32, #tpu.memory_space<vmem>>, vector<1000x128xf32>,
    %swap3A_120 = arith.constant 0 : index
    %swap3A_121 = arith.constant 0 : index
    %swap3A_122 = vector.load %arg12[%swap3A_120, %swap3A_121] : memref<1000x128xf32, #tpu.memory_space<vmem>>, vector<1000x128xf32>
    tpu.vector_store %arg12[%swap3A_120, %swap3A_121], %mul3A_74 {strides = array<i32>} : memref<1000x128xf32, #tpu.memory_space<vmem>>, vector<1000x128xf32>,
    %swap3A_123 = arith.constant 0 : index
    %swap3A_124 = arith.constant 0 : index
    %swap3A_125 = vector.load %arg13[%swap3A_123, %swap3A_124] : memref<1000x128xf32, #tpu.memory_space<vmem>>, vector<1000x128xf32>
    tpu.vector_store %arg13[%swap3A_123, %swap3A_124], %dot_general3A_117 {strides = array<i32>} : memref<1000x128xf32, #tpu.memory_space<vmem>>, vector<1000x128xf32>,
    return
  }
  func.func @transform_0(%arg0: i32) -> (i32, i32) {
    %c0_i32 = arith.constant 0 : i32
    %c0_i32_0 = arith.constant 0 : i32
    return %arg0, %c0_i32 : i32, i32
  }
  func.func @transform_1(%arg0: i32) -> (i32, i32) {
    %c0_i32 = arith.constant 0 : i32
    %c0_i32_0 = arith.constant 0 : i32
    %c0_i32_1 = arith.constant 0 : i32
    return %c0_i32, %c0_i32_0 : i32, i32
  }
  func.func @transform_2(%arg0: i32) -> (i32, i32) {
    %c0_i32 = arith.constant 0 : i32
    %c0_i32_0 = arith.constant 0 : i32
    %c0_i32_1 = arith.constant 0 : i32
    return %c0_i32, %c0_i32_0 : i32, i32
  }
  func.func @transform_3(%arg0: i32) -> (i32, i32) {
    %c0_i32 = arith.constant 0 : i32
    %c0_i32_0 = arith.constant 0 : i32
    %c0_i32_1 = arith.constant 0 : i32
    return %c0_i32, %c0_i32_0 : i32, i32
  }
  func.func @transform_4(%arg0: i32) -> (i32, i32) {
    %c0_i32 = arith.constant 0 : i32
    %c0_i32_0 = arith.constant 0 : i32
    %c0_i32_1 = arith.constant 0 : i32
    return %c0_i32, %c0_i32_0 : i32, i32
  }
  func.func @transform_5(%arg0: i32) -> (i32, i32) {
    %c0_i32 = arith.constant 0 : i32
    %c0_i32_0 = arith.constant 0 : i32
    %c0_i32_1 = arith.constant 0 : i32
    return %c0_i32, %c0_i32_0 : i32, i32
  }
  func.func @transform_6(%arg0: i32) -> (i32, i32) {
    %c0_i32 = arith.constant 0 : i32
    %c0_i32_0 = arith.constant 0 : i32
    %c0_i32_1 = arith.constant 0 : i32
    return %c0_i32, %c0_i32_0 : i32, i32
  }
  func.func @transform_7(%arg0: i32) -> (i32, i32) {
    %c0_i32 = arith.constant 0 : i32
    %c0_i32_0 = arith.constant 0 : i32
    %c0_i32_1 = arith.constant 0 : i32
    return %c0_i32, %c0_i32_0 : i32, i32
  }
  func.func @transform_8(%arg0: i32) -> (i32, i32) {
    %c0_i32 = arith.constant 0 : i32
    %c0_i32_0 = arith.constant 0 : i32
    %c0_i32_1 = arith.constant 0 : i32
    return %c0_i32, %c0_i32_0 : i32, i32
  }
  func.func @transform_9(%arg0: i32) -> (i32, i32) {
    %c0_i32 = arith.constant 0 : i32
    %c0_i32_0 = arith.constant 0 : i32
    %c0_i32_1 = arith.constant 0 : i32
    return %c0_i32, %c0_i32_0 : i32, i32
  }
  func.func @transform_10(%arg0: i32) -> (i32, i32) {
    %c0_i32 = arith.constant 0 : i32
    %c0_i32_0 = arith.constant 0 : i32
    return %arg0, %c0_i32 : i32, i32
  }
  func.func @transform_11(%arg0: i32) -> (i32, i32) {
    %c0_i32 = arith.constant 0 : i32
    %c0_i32_0 = arith.constant 0 : i32
    return %arg0, %c0_i32 : i32, i32
  }
  func.func @transform_12(%arg0: i32) -> (i32, i32) {
    %c0_i32 = arith.constant 0 : i32
    %c0_i32_0 = arith.constant 0 : i32
    return %arg0, %c0_i32 : i32, i32
  }
}

module attributes {stable_mosaic.version = 14 : i64} {
  func.func @_scale_body(%arg0: i32, %arg1: memref<1000x128xf32, #tpu.memory_space<vmem>>, %arg2: memref<2x1000x8xf32, #tpu.memory_space<vmem>>, %arg3: memref<1000x128xf32, #tpu.memory_space<vmem>>) attributes {dimension_semantics = [#tpu.dimension_semantics<arbitrary>], iteration_bounds = array<i64: 10>, scalar_prefetch = 0 : i64, scratch_operands = 0 : i64, tpu.core_type = #tpu.core_type<tc>, window_params = [{transform_indices = @transform_0, window_bounds = array<i64: 1000, 128>}, {transform_indices = @transform_1, window_bounds = array<i64: 2, 1000, 8>}, {transform_indices = @transform_2, window_bounds = array<i64: 1000, 128>}]} {
    %get3A = arith.constant 0 : index
    %get3A_0 = arith.constant 0 : index
    %get3A_1 = vector.load %arg1[%get3A, %get3A_0] : memref<1000x128xf32, #tpu.memory_space<vmem>>, vector<1000x128xf32>
    %get3A_2 = arith.constant 0 : index
    %get3A_3 = arith.constant 0 : index
    %get3A_4 = arith.constant 0 : index
    %get3A_5 = vector.load %arg2[%get3A_2, %get3A_3, %get3A_4] : memref<2x1000x8xf32, #tpu.memory_space<vmem>>, vector<1x1000x1xf32>
    %get3A_6 = vector.shape_cast %get3A_5 : vector<1x1000x1xf32> to vector<1000xf32>
    %get3A_7 = arith.constant 1 : index
    %get3A_8 = arith.constant 0 : index
    %get3A_9 = arith.constant 0 : index
    %get3A_10 = vector.load %arg2[%get3A_7, %get3A_8, %get3A_9] : memref<2x1000x8xf32, #tpu.memory_space<vmem>>, vector<1x1000x1xf32>
    %get3A_11 = vector.shape_cast %get3A_10 : vector<1x1000x1xf32> to vector<1000xf32>
    %add3A = arith.addf %get3A_6, %get3A_11 : vector<1000xf32>
    %add3A_12 = arith.constant 2.000000e+00 : f32
    %add3A_13 = vector.broadcast %add3A_12 : f32 to vector<1000xf32>
    %add3A_14 = arith.addf %add3A, %add3A_13 : vector<1000xf32>
    %rsqrt3A = math.rsqrt %add3A_14 : vector<1000xf32>
    %broadcast_in_dim3A = vector.shape_cast %rsqrt3A : vector<1000xf32> to vector<1000x1xf32>
    %mul3A = vector.broadcast %broadcast_in_dim3A : vector<1000x1xf32> to vector<1000x128xf32>
    %mul3A_15 = arith.mulf %get3A_1, %mul3A : vector<1000x128xf32>
    %swap3A = arith.constant 0 : index
    %swap3A_16 = arith.constant 0 : index
    %swap3A_17 = vector.load %arg3[%swap3A, %swap3A_16] : memref<1000x128xf32, #tpu.memory_space<vmem>>, vector<1000x128xf32>
    tpu.vector_store %arg3[%swap3A, %swap3A_16], %mul3A_15 {strides = array<i32>} : memref<1000x128xf32, #tpu.memory_space<vmem>>, vector<1000x128xf32>,
    return
  }
  func.func @transform_0(%arg0: i32) -> (i32, i32) {
    %c0_i32 = arith.constant 0 : i32
    %c0_i32_0 = arith.constant 0 : i32
    return %arg0, %c0_i32 : i32, i32
  }
  func.func @transform_1(%arg0: i32) -> (i32, i32, i32) {
    %c0_i32 = arith.constant 0 : i32
    %c0_i32_0 = arith.constant 0 : i32
    %c0_i32_1 = arith.constant 0 : i32
    return %c0_i32, %arg0, %c0_i32_0 : i32, i32, i32
  }
  func.func @transform_2(%arg0: i32) -> (i32, i32) {
    %c0_i32 = arith.constant 0 : i32
    %c0_i32_0 = arith.constant 0 : i32
    return %arg0, %c0_i32 : i32, i32
  }
}

module attributes {stable_mosaic.version = 14 : i64} {
  func.func @_stage2_body(%arg0: i32, %arg1: memref<1000x128xf32, #tpu.memory_space<vmem>>, %arg2: memref<1000x128xf32, #tpu.memory_space<vmem>>, %arg3: memref<1000x128xf32, #tpu.memory_space<vmem>>, %arg4: memref<2x1000x128xf32, #tpu.memory_space<vmem>>, %arg5: memref<2x1000x8xf32, #tpu.memory_space<vmem>>, %arg6: memref<128x128xf32, #tpu.memory_space<vmem>>, %arg7: memref<1x128xf32, #tpu.memory_space<vmem>>, %arg8: memref<1x128xf32, #tpu.memory_space<vmem>>, %arg9: memref<1x128xf32, #tpu.memory_space<vmem>>, %arg10: memref<1x128xf32, #tpu.memory_space<vmem>>, %arg11: memref<128x128xf32, #tpu.memory_space<vmem>>, %arg12: memref<1x128xf32, #tpu.memory_space<vmem>>, %arg13: memref<1x128xf32, #tpu.memory_space<vmem>>, %arg14: memref<1x128xf32, #tpu.memory_space<vmem>>, %arg15: memref<128x128xf32, #tpu.memory_space<vmem>>, %arg16: memref<1000x128xf32, #tpu.memory_space<vmem>>, %arg17: memref<1000x128xf32, #tpu.memory_space<vmem>>, %arg18: memref<1000x128xf32, #tpu.memory_space<vmem>>) attributes {dimension_semantics = [#tpu.dimension_semantics<arbitrary>], iteration_bounds = array<i64: 10>, scalar_prefetch = 0 : i64, scratch_operands = 0 : i64, tpu.core_type = #tpu.core_type<tc>, window_params = [{transform_indices = @transform_0, window_bounds = array<i64: 1000, 128>}, {transform_indices = @transform_1, window_bounds = array<i64: 1000, 128>}, {transform_indices = @transform_2, window_bounds = array<i64: 1000, 128>}, {transform_indices = @transform_3, window_bounds = array<i64: 2, 1000, 128>}, {transform_indices = @transform_4, window_bounds = array<i64: 2, 1000, 8>}, {pipeline_mode = #tpu.pipeline_mode<synchronous>, transform_indices = @transform_5, window_bounds = array<i64: 128, 128>}, {pipeline_mode = #tpu.pipeline_mode<synchronous>, transform_indices = @transform_6, window_bounds = array<i64: 1, 128>}, {pipeline_mode = #tpu.pipeline_mode<synchronous>, transform_indices = @transform_7, window_bounds = array<i64: 1, 128>}, {pipeline_mode = #tpu.pipeline_mode<synchronous>, transform_indices = @transform_8, window_bounds = array<i64: 1, 128>}, {pipeline_mode = #tpu.pipeline_mode<synchronous>, transform_indices = @transform_9, window_bounds = array<i64: 1, 128>}, {pipeline_mode = #tpu.pipeline_mode<synchronous>, transform_indices = @transform_10, window_bounds = array<i64: 128, 128>}, {pipeline_mode = #tpu.pipeline_mode<synchronous>, transform_indices = @transform_11, window_bounds = array<i64: 1, 128>}, {pipeline_mode = #tpu.pipeline_mode<synchronous>, transform_indices = @transform_12, window_bounds = array<i64: 1, 128>}, {pipeline_mode = #tpu.pipeline_mode<synchronous>, transform_indices = @transform_13, window_bounds = array<i64: 1, 128>}, {pipeline_mode = #tpu.pipeline_mode<synchronous>, transform_indices = @transform_14, window_bounds = array<i64: 128, 128>}, {transform_indices = @transform_15, window_bounds = array<i64: 1000, 128>}, {transform_indices = @transform_16, window_bounds = array<i64: 1000, 128>}, {transform_indices = @transform_17, window_bounds = array<i64: 1000, 128>}]} {
    %get3A = arith.constant 0 : index
    %get3A_0 = arith.constant 0 : index
    %get3A_1 = arith.constant 0 : index
    %get3A_2 = vector.load %arg5[%get3A, %get3A_0, %get3A_1] : memref<2x1000x8xf32, #tpu.memory_space<vmem>>, vector<1x1000x1xf32>
    %get3A_3 = vector.shape_cast %get3A_2 : vector<1x1000x1xf32> to vector<1000xf32>
    %get3A_4 = arith.constant 1 : index
    %get3A_5 = arith.constant 0 : index
    %get3A_6 = arith.constant 0 : index
    %get3A_7 = vector.load %arg5[%get3A_4, %get3A_5, %get3A_6] : memref<2x1000x8xf32, #tpu.memory_space<vmem>>, vector<1x1000x1xf32>
    %get3A_8 = vector.shape_cast %get3A_7 : vector<1x1000x1xf32> to vector<1000xf32>
    %add3A = arith.addf %get3A_3, %get3A_8 : vector<1000xf32>
    %add3A_9 = arith.constant 2.000000e+00 : f32
    %add3A_10 = vector.broadcast %add3A_9 : f32 to vector<1000xf32>
    %add3A_11 = arith.addf %add3A, %add3A_10 : vector<1000xf32>
    %rsqrt3A = math.rsqrt %add3A_11 : vector<1000xf32>
    %broadcast_in_dim3A = vector.shape_cast %rsqrt3A : vector<1000xf32> to vector<1000x1xf32>
    %get3A_12 = arith.constant 0 : index
    %get3A_13 = arith.constant 0 : index
    %get3A_14 = vector.load %arg1[%get3A_12, %get3A_13] : memref<1000x128xf32, #tpu.memory_space<vmem>>, vector<1000x128xf32>
    %get3A_15 = arith.constant 0 : index
    %get3A_16 = arith.constant 0 : index
    %get3A_17 = vector.load %arg2[%get3A_15, %get3A_16] : memref<1000x128xf32, #tpu.memory_space<vmem>>, vector<1000x128xf32>
    %get3A_18 = arith.constant 0 : index
    %get3A_19 = arith.constant 0 : index
    %get3A_20 = vector.load %arg3[%get3A_18, %get3A_19] : memref<1000x128xf32, #tpu.memory_space<vmem>>, vector<1000x128xf32>
    %get3A_21 = arith.constant 0 : index
    %get3A_22 = arith.constant 0 : index
    %get3A_23 = arith.constant 0 : index
    %get3A_24 = vector.load %arg4[%get3A_21, %get3A_22, %get3A_23] : memref<2x1000x128xf32, #tpu.memory_space<vmem>>, vector<1x1000x128xf32>
    %get3A_25 = vector.shape_cast %get3A_24 : vector<1x1000x128xf32> to vector<1000x128xf32>
    %get3A_26 = arith.constant 1 : index
    %get3A_27 = arith.constant 0 : index
    %get3A_28 = arith.constant 0 : index
    %get3A_29 = vector.load %arg4[%get3A_26, %get3A_27, %get3A_28] : memref<2x1000x128xf32, #tpu.memory_space<vmem>>, vector<1x1000x128xf32>
    %get3A_30 = vector.shape_cast %get3A_29 : vector<1x1000x128xf32> to vector<1000x128xf32>
    %get3A_31 = arith.constant 0 : index
    %get3A_32 = arith.constant 0 : index
    %get3A_33 = vector.load %arg6[%get3A_31, %get3A_32] : memref<128x128xf32, #tpu.memory_space<vmem>>, vector<128x128xf32>
    %get3A_34 = arith.constant 0 : index
    %get3A_35 = arith.constant 0 : index
    %get3A_36 = vector.load %arg7[%get3A_34, %get3A_35] : memref<1x128xf32, #tpu.memory_space<vmem>>, vector<1x128xf32>
    %get3A_37 = arith.constant 0 : index
    %get3A_38 = arith.constant 0 : index
    %get3A_39 = vector.load %arg8[%get3A_37, %get3A_38] : memref<1x128xf32, #tpu.memory_space<vmem>>, vector<1x128xf32>
    %add3A_40 = arith.addf %get3A_25, %get3A_30 : vector<1000x128xf32>
    %mul3A = arith.constant 2.000000e+00 : f32
    %mul3A_41 = vector.broadcast %mul3A : f32 to vector<1000x128xf32>
    %mul3A_42 = arith.mulf %mul3A_41, %get3A_20 : vector<1000x128xf32>
    %add3A_43 = arith.addf %add3A_40, %mul3A_42 : vector<1000x128xf32>
    %mul3A_44 = vector.broadcast %broadcast_in_dim3A : vector<1000x1xf32> to vector<1000x128xf32>
    %mul3A_45 = arith.mulf %mul3A_44, %add3A_43 : vector<1000x128xf32>
    %add3A_46 = vector.broadcast %get3A_39 : vector<1x128xf32> to vector<1000x128xf32>
    %add3A_47 = arith.addf %mul3A_45, %add3A_46 : vector<1000x128xf32>
    %tanh3A = math.tanh %add3A_47 : vector<1000x128xf32>
    %mul3A_48 = arith.mulf %tanh3A, %get3A_17 : vector<1000x128xf32>
    %dot_general3A = arith.constant dense<0.000000e+00> : vector<1000x128xf32>
    %dot_general3A_49 = tpu.matmul %mul3A_48, %get3A_33, %dot_general3A {dimension_numbers = #tpu.dot_dimension_numbers<[1], [0], [0], [1], [0, 0, 1, 1], [], []>, transpose_lhs_hint = false} : vector<1000x128xf32>, vector<128x128xf32>, vector<1000x128xf32> -> vector<1000x128xf32>
    %add3A_50 = arith.addf %get3A_14, %dot_general3A_49 : vector<1000x128xf32>
    %add3A_51 = vector.broadcast %get3A_36 : vector<1x128xf32> to vector<1000x128xf32>
    %add3A_52 = arith.addf %add3A_50, %add3A_51 : vector<1000x128xf32>
    %get3A_53 = arith.constant 0 : index
    %get3A_54 = arith.constant 0 : index
    %get3A_55 = vector.load %arg9[%get3A_53, %get3A_54] : memref<1x128xf32, #tpu.memory_space<vmem>>, vector<1x128xf32>
    %get3A_56 = arith.constant 0 : index
    %get3A_57 = arith.constant 0 : index
    %get3A_58 = vector.load %arg10[%get3A_56, %get3A_57] : memref<1x128xf32, #tpu.memory_space<vmem>>, vector<1x128xf32>
    %get3A_59 = arith.constant 0 : index
    %get3A_60 = arith.constant 0 : index
    %get3A_61 = vector.load %arg11[%get3A_59, %get3A_60] : memref<128x128xf32, #tpu.memory_space<vmem>>, vector<128x128xf32>
    %get3A_62 = arith.constant 0 : index
    %get3A_63 = arith.constant 0 : index
    %get3A_64 = vector.load %arg12[%get3A_62, %get3A_63] : memref<1x128xf32, #tpu.memory_space<vmem>>, vector<1x128xf32>
    %get3A_65 = arith.constant 0 : index
    %get3A_66 = arith.constant 0 : index
    %get3A_67 = vector.load %arg13[%get3A_65, %get3A_66] : memref<1x128xf32, #tpu.memory_space<vmem>>, vector<1x128xf32>
    %get3A_68 = arith.constant 0 : index
    %get3A_69 = arith.constant 0 : index
    %get3A_70 = vector.load %arg14[%get3A_68, %get3A_69] : memref<1x128xf32, #tpu.memory_space<vmem>>, vector<1x128xf32>
    %get3A_71 = arith.constant 0 : index
    %get3A_72 = arith.constant 0 : index
    %get3A_73 = vector.load %arg15[%get3A_71, %get3A_72] : memref<128x128xf32, #tpu.memory_space<vmem>>, vector<128x128xf32>
    %reduce_sum3A = arith.constant dense<0.000000e+00> : vector<1000xf32>
    %reduce_sum3A_74 = vector.multi_reduction <add>, %add3A_52, %reduce_sum3A [1] : vector<1000x128xf32> to vector<1000xf32>
    %broadcast_in_dim3A_75 = vector.shape_cast %reduce_sum3A_74 : vector<1000xf32> to vector<1000x1xf32>
    %div3A = arith.constant 1.280000e+02 : f32
    %div3A_76 = vector.broadcast %div3A : f32 to vector<1000x1xf32>
    %div3A_77 = arith.divf %broadcast_in_dim3A_75, %div3A_76 : vector<1000x1xf32>
    %jit3A = arith.constant 0 : i32
    %reduce_sum3A_78 = arith.constant dense<0.000000e+00> : vector<1000xf32>
    %reduce_sum3A_79 = vector.multi_reduction <add>, %add3A_52, %reduce_sum3A_78 [1] : vector<1000x128xf32> to vector<1000xf32>
    %broadcast_in_dim3A_80 = vector.shape_cast %reduce_sum3A_79 : vector<1000xf32> to vector<1000x1xf32>
    %div3A_81 = arith.constant 1.280000e+02 : f32
    %div3A_82 = vector.broadcast %div3A_81 : f32 to vector<1000x1xf32>
    %div3A_83 = arith.divf %broadcast_in_dim3A_80, %div3A_82 : vector<1000x1xf32>
    %sub3A = vector.broadcast %div3A_83 : vector<1000x1xf32> to vector<1000x128xf32>
    %sub3A_84 = arith.subf %add3A_52, %sub3A : vector<1000x128xf32>
    %square3A = arith.mulf %sub3A_84, %sub3A_84 : vector<1000x128xf32>
    %convert_element_type3A = arith.sitofp %jit3A : i32 to f32
    %sub3A_85 = arith.constant 1.280000e+02 : f32
    %sub3A_86 = arith.subf %sub3A_85, %convert_element_type3A : f32
    %reduce_sum3A_87 = arith.constant dense<0.000000e+00> : vector<1000xf32>
    %reduce_sum3A_88 = vector.multi_reduction <add>, %square3A, %reduce_sum3A_87 [1] : vector<1000x128xf32> to vector<1000xf32>
    %broadcast_in_dim3A_89 = vector.shape_cast %reduce_sum3A_88 : vector<1000xf32> to vector<1000x1xf32>
    %div3A_90 = vector.broadcast %sub3A_86 : f32 to vector<1000x1xf32>
    %div3A_91 = arith.divf %broadcast_in_dim3A_89, %div3A_90 : vector<1000x1xf32>
    %gt3A = arith.constant 0.000000e+00 : f32
    %gt3A_92 = arith.cmpf ogt, %sub3A_86, %gt3A : f32
    %jit3A_93 = arith.constant 0x7FC00000 : f32
    %broadcast_in_dim3A_94 = vector.broadcast %jit3A_93 : f32 to vector<1000x1xf32>
    %select_n3A = arith.select %gt3A_92, %div3A_91, %broadcast_in_dim3A_94 : vector<1000x1xf32>
    %sub3A_95 = vector.broadcast %div3A_77 : vector<1000x1xf32> to vector<1000x128xf32>
    %sub3A_96 = arith.subf %add3A_52, %sub3A_95 : vector<1000x128xf32>
    %add3A_97 = arith.constant 9.99999974E-6 : f32
    %add3A_98 = vector.broadcast %add3A_97 : f32 to vector<1000x1xf32>
    %add3A_99 = arith.addf %select_n3A, %add3A_98 : vector<1000x1xf32>
    %sqrt3A = math.sqrt %add3A_99 : vector<1000x1xf32>
    %div3A_100 = vector.broadcast %sqrt3A : vector<1000x1xf32> to vector<1000x128xf32>
    %div3A_101 = arith.divf %sub3A_96, %div3A_100 : vector<1000x128xf32>
    %mul3A_102 = vector.broadcast %get3A_55 : vector<1x128xf32> to vector<1000x128xf32>
    %mul3A_103 = arith.mulf %div3A_101, %mul3A_102 : vector<1000x128xf32>
    %add3A_104 = vector.broadcast %get3A_58 : vector<1x128xf32> to vector<1000x128xf32>
    %add3A_105 = arith.addf %mul3A_103, %add3A_104 : vector<1000x128xf32>
    %dot_general3A_106 = arith.constant dense<0.000000e+00> : vector<1000x128xf32>
    %dot_general3A_107 = tpu.matmul %add3A_105, %get3A_61, %dot_general3A_106 {dimension_numbers = #tpu.dot_dimension_numbers<[1], [0], [0], [1], [0, 0, 1, 1], [], []>, transpose_lhs_hint = false} : vector<1000x128xf32>, vector<128x128xf32>, vector<1000x128xf32> -> vector<1000x128xf32>
    %add3A_108 = vector.broadcast %get3A_64 : vector<1x128xf32> to vector<1000x128xf32>
    %add3A_109 = arith.addf %dot_general3A_107, %add3A_108 : vector<1000x128xf32>
    %mul3A_110 = arith.constant 5.000000e-01 : f32
    %mul3A_111 = vector.broadcast %mul3A_110 : f32 to vector<1000x128xf32>
    %mul3A_112 = arith.mulf %mul3A_111, %add3A_109 : vector<1000x128xf32>
    %mul3A_113 = arith.constant 0.707106769 : f32
    %mul3A_114 = vector.broadcast %mul3A_113 : f32 to vector<1000x128xf32>
    %mul3A_115 = arith.mulf %add3A_109, %mul3A_114 : vector<1000x128xf32>
    %erf3A = math.erf %mul3A_115 : vector<1000x128xf32>
    %add3A_116 = arith.constant 1.000000e+00 : f32
    %add3A_117 = vector.broadcast %add3A_116 : f32 to vector<1000x128xf32>
    %add3A_118 = arith.addf %add3A_117, %erf3A : vector<1000x128xf32>
    %mul3A_119 = arith.mulf %mul3A_112, %add3A_118 : vector<1000x128xf32>
    %reduce_sum3A_120 = arith.constant dense<0.000000e+00> : vector<1000xf32>
    %reduce_sum3A_121 = vector.multi_reduction <add>, %mul3A_119, %reduce_sum3A_120 [1] : vector<1000x128xf32> to vector<1000xf32>
    %broadcast_in_dim3A_122 = vector.shape_cast %reduce_sum3A_121 : vector<1000xf32> to vector<1000x1xf32>
    %div3A_123 = arith.constant 1.280000e+02 : f32
    %div3A_124 = vector.broadcast %div3A_123 : f32 to vector<1000x1xf32>
    %div3A_125 = arith.divf %broadcast_in_dim3A_122, %div3A_124 : vector<1000x1xf32>
    %jit3A_126 = arith.constant 0 : i32
    %reduce_sum3A_127 = arith.constant dense<0.000000e+00> : vector<1000xf32>
    %reduce_sum3A_128 = vector.multi_reduction <add>, %mul3A_119, %reduce_sum3A_127 [1] : vector<1000x128xf32> to vector<1000xf32>
    %broadcast_in_dim3A_129 = vector.shape_cast %reduce_sum3A_128 : vector<1000xf32> to vector<1000x1xf32>
    %div3A_130 = arith.constant 1.280000e+02 : f32
    %div3A_131 = vector.broadcast %div3A_130 : f32 to vector<1000x1xf32>
    %div3A_132 = arith.divf %broadcast_in_dim3A_129, %div3A_131 : vector<1000x1xf32>
    %sub3A_133 = vector.broadcast %div3A_132 : vector<1000x1xf32> to vector<1000x128xf32>
    %sub3A_134 = arith.subf %mul3A_119, %sub3A_133 : vector<1000x128xf32>
    %square3A_135 = arith.mulf %sub3A_134, %sub3A_134 : vector<1000x128xf32>
    %convert_element_type3A_136 = arith.sitofp %jit3A_126 : i32 to f32
    %sub3A_137 = arith.constant 1.280000e+02 : f32
    %sub3A_138 = arith.subf %sub3A_137, %convert_element_type3A_136 : f32
    %reduce_sum3A_139 = arith.constant dense<0.000000e+00> : vector<1000xf32>
    %reduce_sum3A_140 = vector.multi_reduction <add>, %square3A_135, %reduce_sum3A_139 [1] : vector<1000x128xf32> to vector<1000xf32>
    %broadcast_in_dim3A_141 = vector.shape_cast %reduce_sum3A_140 : vector<1000xf32> to vector<1000x1xf32>
    %div3A_142 = vector.broadcast %sub3A_138 : f32 to vector<1000x1xf32>
    %div3A_143 = arith.divf %broadcast_in_dim3A_141, %div3A_142 : vector<1000x1xf32>
    %gt3A_144 = arith.constant 0.000000e+00 : f32
    %gt3A_145 = arith.cmpf ogt, %sub3A_138, %gt3A_144 : f32
    %jit3A_146 = arith.constant 0x7FC00000 : f32
    %broadcast_in_dim3A_147 = vector.broadcast %jit3A_146 : f32 to vector<1000x1xf32>
    %select_n3A_148 = arith.select %gt3A_145, %div3A_143, %broadcast_in_dim3A_147 : vector<1000x1xf32>
    %sub3A_149 = vector.broadcast %div3A_125 : vector<1000x1xf32> to vector<1000x128xf32>
    %sub3A_150 = arith.subf %mul3A_119, %sub3A_149 : vector<1000x128xf32>
    %add3A_151 = arith.constant 9.99999974E-6 : f32
    %add3A_152 = vector.broadcast %add3A_151 : f32 to vector<1000x1xf32>
    %add3A_153 = arith.addf %select_n3A_148, %add3A_152 : vector<1000x1xf32>
    %sqrt3A_154 = math.sqrt %add3A_153 : vector<1000x1xf32>
    %div3A_155 = vector.broadcast %sqrt3A_154 : vector<1000x1xf32> to vector<1000x128xf32>
    %div3A_156 = arith.divf %sub3A_150, %div3A_155 : vector<1000x128xf32>
    %mul3A_157 = vector.broadcast %get3A_67 : vector<1x128xf32> to vector<1000x128xf32>
    %mul3A_158 = arith.mulf %div3A_156, %mul3A_157 : vector<1000x128xf32>
    %add3A_159 = vector.broadcast %get3A_70 : vector<1x128xf32> to vector<1000x128xf32>
    %add3A_160 = arith.addf %mul3A_158, %add3A_159 : vector<1000x128xf32>
    %dot_general3A_161 = arith.constant dense<0.000000e+00> : vector<1000x128xf32>
    %dot_general3A_162 = tpu.matmul %add3A_160, %get3A_73, %dot_general3A_161 {dimension_numbers = #tpu.dot_dimension_numbers<[1], [0], [0], [1], [0, 0, 1, 1], [], []>, transpose_lhs_hint = false} : vector<1000x128xf32>, vector<128x128xf32>, vector<1000x128xf32> -> vector<1000x128xf32>
    %mul3A_163 = vector.broadcast %broadcast_in_dim3A : vector<1000x1xf32> to vector<1000x128xf32>
    %mul3A_164 = arith.mulf %dot_general3A_162, %mul3A_163 : vector<1000x128xf32>
    %swap3A = arith.constant 0 : index
    %swap3A_165 = arith.constant 0 : index
    %swap3A_166 = vector.load %arg16[%swap3A, %swap3A_165] : memref<1000x128xf32, #tpu.memory_space<vmem>>, vector<1000x128xf32>
    tpu.vector_store %arg16[%swap3A, %swap3A_165], %add3A_52 {strides = array<i32>} : memref<1000x128xf32, #tpu.memory_space<vmem>>, vector<1000x128xf32>,
    %swap3A_167 = arith.constant 0 : index
    %swap3A_168 = arith.constant 0 : index
    %swap3A_169 = vector.load %arg17[%swap3A_167, %swap3A_168] : memref<1000x128xf32, #tpu.memory_space<vmem>>, vector<1000x128xf32>
    tpu.vector_store %arg17[%swap3A_167, %swap3A_168], %mul3A_119 {strides = array<i32>} : memref<1000x128xf32, #tpu.memory_space<vmem>>, vector<1000x128xf32>,
    %swap3A_170 = arith.constant 0 : index
    %swap3A_171 = arith.constant 0 : index
    %swap3A_172 = vector.load %arg18[%swap3A_170, %swap3A_171] : memref<1000x128xf32, #tpu.memory_space<vmem>>, vector<1000x128xf32>
    tpu.vector_store %arg18[%swap3A_170, %swap3A_171], %mul3A_164 {strides = array<i32>} : memref<1000x128xf32, #tpu.memory_space<vmem>>, vector<1000x128xf32>,
    return
  }
  func.func @transform_0(%arg0: i32) -> (i32, i32) {
    %c0_i32 = arith.constant 0 : i32
    %c0_i32_0 = arith.constant 0 : i32
    return %arg0, %c0_i32 : i32, i32
  }
  func.func @transform_1(%arg0: i32) -> (i32, i32) {
    %c0_i32 = arith.constant 0 : i32
    %c0_i32_0 = arith.constant 0 : i32
    return %arg0, %c0_i32 : i32, i32
  }
  func.func @transform_2(%arg0: i32) -> (i32, i32) {
    %c0_i32 = arith.constant 0 : i32
    %c0_i32_0 = arith.constant 0 : i32
    return %arg0, %c0_i32 : i32, i32
  }
  func.func @transform_3(%arg0: i32) -> (i32, i32, i32) {
    %c0_i32 = arith.constant 0 : i32
    %c0_i32_0 = arith.constant 0 : i32
    %c0_i32_1 = arith.constant 0 : i32
    return %c0_i32, %arg0, %c0_i32_0 : i32, i32, i32
  }
  func.func @transform_4(%arg0: i32) -> (i32, i32, i32) {
    %c0_i32 = arith.constant 0 : i32
    %c0_i32_0 = arith.constant 0 : i32
    %c0_i32_1 = arith.constant 0 : i32
    return %c0_i32, %arg0, %c0_i32_0 : i32, i32, i32
  }
  func.func @transform_5(%arg0: i32) -> (i32, i32) {
    %c0_i32 = arith.constant 0 : i32
    %c0_i32_0 = arith.constant 0 : i32
    %c0_i32_1 = arith.constant 0 : i32
    return %c0_i32, %c0_i32_0 : i32, i32
  }
  func.func @transform_6(%arg0: i32) -> (i32, i32) {
    %c0_i32 = arith.constant 0 : i32
    %c0_i32_0 = arith.constant 0 : i32
    %c0_i32_1 = arith.constant 0 : i32
    return %c0_i32, %c0_i32_0 : i32, i32
  }
  func.func @transform_7(%arg0: i32) -> (i32, i32) {
    %c0_i32 = arith.constant 0 : i32
    %c0_i32_0 = arith.constant 0 : i32
    %c0_i32_1 = arith.constant 0 : i32
    return %c0_i32, %c0_i32_0 : i32, i32
  }
  func.func @transform_8(%arg0: i32) -> (i32, i32) {
    %c0_i32 = arith.constant 0 : i32
    %c0_i32_0 = arith.constant 0 : i32
    %c0_i32_1 = arith.constant 0 : i32
    return %c0_i32, %c0_i32_0 : i32, i32
  }
  func.func @transform_9(%arg0: i32) -> (i32, i32) {
    %c0_i32 = arith.constant 0 : i32
    %c0_i32_0 = arith.constant 0 : i32
    %c0_i32_1 = arith.constant 0 : i32
    return %c0_i32, %c0_i32_0 : i32, i32
  }
  func.func @transform_10(%arg0: i32) -> (i32, i32) {
    %c0_i32 = arith.constant 0 : i32
    %c0_i32_0 = arith.constant 0 : i32
    %c0_i32_1 = arith.constant 0 : i32
    return %c0_i32, %c0_i32_0 : i32, i32
  }
  func.func @transform_11(%arg0: i32) -> (i32, i32) {
    %c0_i32 = arith.constant 0 : i32
    %c0_i32_0 = arith.constant 0 : i32
    %c0_i32_1 = arith.constant 0 : i32
    return %c0_i32, %c0_i32_0 : i32, i32
  }
  func.func @transform_12(%arg0: i32) -> (i32, i32) {
    %c0_i32 = arith.constant 0 : i32
    %c0_i32_0 = arith.constant 0 : i32
    %c0_i32_1 = arith.constant 0 : i32
    return %c0_i32, %c0_i32_0 : i32, i32
  }
  func.func @transform_13(%arg0: i32) -> (i32, i32) {
    %c0_i32 = arith.constant 0 : i32
    %c0_i32_0 = arith.constant 0 : i32
    %c0_i32_1 = arith.constant 0 : i32
    return %c0_i32, %c0_i32_0 : i32, i32
  }
  func.func @transform_14(%arg0: i32) -> (i32, i32) {
    %c0_i32 = arith.constant 0 : i32
    %c0_i32_0 = arith.constant 0 : i32
    %c0_i32_1 = arith.constant 0 : i32
    return %c0_i32, %c0_i32_0 : i32, i32
  }
  func.func @transform_15(%arg0: i32) -> (i32, i32) {
    %c0_i32 = arith.constant 0 : i32
    %c0_i32_0 = arith.constant 0 : i32
    return %arg0, %c0_i32 : i32, i32
  }
  func.func @transform_16(%arg0: i32) -> (i32, i32) {
    %c0_i32 = arith.constant 0 : i32
    %c0_i32_0 = arith.constant 0 : i32
    return %arg0, %c0_i32 : i32, i32
  }
  func.func @transform_17(%arg0: i32) -> (i32, i32) {
    %c0_i32 = arith.constant 0 : i32
    %c0_i32_0 = arith.constant 0 : i32
    return %arg0, %c0_i32 : i32, i32
  }
}

module attributes {stable_mosaic.version = 14 : i64} {
  func.func @_stage3_body(%arg0: i32, %arg1: memref<1000x128xf32, #tpu.memory_space<vmem>>, %arg2: memref<1000x128xf32, #tpu.memory_space<vmem>>, %arg3: memref<1000x128xf32, #tpu.memory_space<vmem>>, %arg4: memref<2x1000x128xf32, #tpu.memory_space<vmem>>, %arg5: memref<2x1000x8xf32, #tpu.memory_space<vmem>>, %arg6: memref<128x128xf32, #tpu.memory_space<vmem>>, %arg7: memref<1x128xf32, #tpu.memory_space<vmem>>, %arg8: memref<1x128xf32, #tpu.memory_space<vmem>>, %arg9: memref<128x40xf32, #tpu.memory_space<vmem>>, %arg10: memref<1x40xf32, #tpu.memory_space<vmem>>, %arg11: memref<1000x40xf32, #tpu.memory_space<vmem>>) attributes {dimension_semantics = [#tpu.dimension_semantics<arbitrary>], iteration_bounds = array<i64: 10>, scalar_prefetch = 0 : i64, scratch_operands = 0 : i64, tpu.core_type = #tpu.core_type<tc>, window_params = [{transform_indices = @transform_0, window_bounds = array<i64: 1000, 128>}, {transform_indices = @transform_1, window_bounds = array<i64: 1000, 128>}, {transform_indices = @transform_2, window_bounds = array<i64: 1000, 128>}, {transform_indices = @transform_3, window_bounds = array<i64: 2, 1000, 128>}, {transform_indices = @transform_4, window_bounds = array<i64: 2, 1000, 8>}, {pipeline_mode = #tpu.pipeline_mode<synchronous>, transform_indices = @transform_5, window_bounds = array<i64: 128, 128>}, {pipeline_mode = #tpu.pipeline_mode<synchronous>, transform_indices = @transform_6, window_bounds = array<i64: 1, 128>}, {pipeline_mode = #tpu.pipeline_mode<synchronous>, transform_indices = @transform_7, window_bounds = array<i64: 1, 128>}, {pipeline_mode = #tpu.pipeline_mode<synchronous>, transform_indices = @transform_8, window_bounds = array<i64: 128, 40>}, {pipeline_mode = #tpu.pipeline_mode<synchronous>, transform_indices = @transform_9, window_bounds = array<i64: 1, 40>}, {transform_indices = @transform_10, window_bounds = array<i64: 1000, 40>}]} {
    %get3A = arith.constant 0 : index
    %get3A_0 = arith.constant 0 : index
    %get3A_1 = arith.constant 0 : index
    %get3A_2 = vector.load %arg5[%get3A, %get3A_0, %get3A_1] : memref<2x1000x8xf32, #tpu.memory_space<vmem>>, vector<1x1000x1xf32>
    %get3A_3 = vector.shape_cast %get3A_2 : vector<1x1000x1xf32> to vector<1000xf32>
    %get3A_4 = arith.constant 1 : index
    %get3A_5 = arith.constant 0 : index
    %get3A_6 = arith.constant 0 : index
    %get3A_7 = vector.load %arg5[%get3A_4, %get3A_5, %get3A_6] : memref<2x1000x8xf32, #tpu.memory_space<vmem>>, vector<1x1000x1xf32>
    %get3A_8 = vector.shape_cast %get3A_7 : vector<1x1000x1xf32> to vector<1000xf32>
    %add3A = arith.addf %get3A_3, %get3A_8 : vector<1000xf32>
    %add3A_9 = arith.constant 2.000000e+00 : f32
    %add3A_10 = vector.broadcast %add3A_9 : f32 to vector<1000xf32>
    %add3A_11 = arith.addf %add3A, %add3A_10 : vector<1000xf32>
    %rsqrt3A = math.rsqrt %add3A_11 : vector<1000xf32>
    %broadcast_in_dim3A = vector.shape_cast %rsqrt3A : vector<1000xf32> to vector<1000x1xf32>
    %get3A_12 = arith.constant 0 : index
    %get3A_13 = arith.constant 0 : index
    %get3A_14 = vector.load %arg1[%get3A_12, %get3A_13] : memref<1000x128xf32, #tpu.memory_space<vmem>>, vector<1000x128xf32>
    %get3A_15 = arith.constant 0 : index
    %get3A_16 = arith.constant 0 : index
    %get3A_17 = vector.load %arg2[%get3A_15, %get3A_16] : memref<1000x128xf32, #tpu.memory_space<vmem>>, vector<1000x128xf32>
    %get3A_18 = arith.constant 0 : index
    %get3A_19 = arith.constant 0 : index
    %get3A_20 = vector.load %arg3[%get3A_18, %get3A_19] : memref<1000x128xf32, #tpu.memory_space<vmem>>, vector<1000x128xf32>
    %get3A_21 = arith.constant 0 : index
    %get3A_22 = arith.constant 0 : index
    %get3A_23 = arith.constant 0 : index
    %get3A_24 = vector.load %arg4[%get3A_21, %get3A_22, %get3A_23] : memref<2x1000x128xf32, #tpu.memory_space<vmem>>, vector<1x1000x128xf32>
    %get3A_25 = vector.shape_cast %get3A_24 : vector<1x1000x128xf32> to vector<1000x128xf32>
    %get3A_26 = arith.constant 1 : index
    %get3A_27 = arith.constant 0 : index
    %get3A_28 = arith.constant 0 : index
    %get3A_29 = vector.load %arg4[%get3A_26, %get3A_27, %get3A_28] : memref<2x1000x128xf32, #tpu.memory_space<vmem>>, vector<1x1000x128xf32>
    %get3A_30 = vector.shape_cast %get3A_29 : vector<1x1000x128xf32> to vector<1000x128xf32>
    %get3A_31 = arith.constant 0 : index
    %get3A_32 = arith.constant 0 : index
    %get3A_33 = vector.load %arg6[%get3A_31, %get3A_32] : memref<128x128xf32, #tpu.memory_space<vmem>>, vector<128x128xf32>
    %get3A_34 = arith.constant 0 : index
    %get3A_35 = arith.constant 0 : index
    %get3A_36 = vector.load %arg7[%get3A_34, %get3A_35] : memref<1x128xf32, #tpu.memory_space<vmem>>, vector<1x128xf32>
    %get3A_37 = arith.constant 0 : index
    %get3A_38 = arith.constant 0 : index
    %get3A_39 = vector.load %arg8[%get3A_37, %get3A_38] : memref<1x128xf32, #tpu.memory_space<vmem>>, vector<1x128xf32>
    %add3A_40 = arith.addf %get3A_25, %get3A_30 : vector<1000x128xf32>
    %mul3A = arith.constant 2.000000e+00 : f32
    %mul3A_41 = vector.broadcast %mul3A : f32 to vector<1000x128xf32>
    %mul3A_42 = arith.mulf %mul3A_41, %get3A_20 : vector<1000x128xf32>
    %add3A_43 = arith.addf %add3A_40, %mul3A_42 : vector<1000x128xf32>
    %mul3A_44 = vector.broadcast %broadcast_in_dim3A : vector<1000x1xf32> to vector<1000x128xf32>
    %mul3A_45 = arith.mulf %mul3A_44, %add3A_43 : vector<1000x128xf32>
    %add3A_46 = vector.broadcast %get3A_39 : vector<1x128xf32> to vector<1000x128xf32>
    %add3A_47 = arith.addf %mul3A_45, %add3A_46 : vector<1000x128xf32>
    %tanh3A = math.tanh %add3A_47 : vector<1000x128xf32>
    %mul3A_48 = arith.mulf %tanh3A, %get3A_17 : vector<1000x128xf32>
    %dot_general3A = arith.constant dense<0.000000e+00> : vector<1000x128xf32>
    %dot_general3A_49 = tpu.matmul %mul3A_48, %get3A_33, %dot_general3A {dimension_numbers = #tpu.dot_dimension_numbers<[1], [0], [0], [1], [0, 0, 1, 1], [], []>, transpose_lhs_hint = false} : vector<1000x128xf32>, vector<128x128xf32>, vector<1000x128xf32> -> vector<1000x128xf32>
    %add3A_50 = arith.addf %get3A_14, %dot_general3A_49 : vector<1000x128xf32>
    %add3A_51 = vector.broadcast %get3A_36 : vector<1x128xf32> to vector<1000x128xf32>
    %add3A_52 = arith.addf %add3A_50, %add3A_51 : vector<1000x128xf32>
    %get3A_53 = arith.constant 0 : index
    %get3A_54 = arith.constant 0 : index
    %get3A_55 = vector.load %arg9[%get3A_53, %get3A_54] : memref<128x40xf32, #tpu.memory_space<vmem>>, vector<128x40xf32>
    %dot_general3A_56 = arith.constant dense<0.000000e+00> : vector<1000x40xf32>
    %dot_general3A_57 = tpu.matmul %add3A_52, %get3A_55, %dot_general3A_56 {dimension_numbers = #tpu.dot_dimension_numbers<[1], [0], [0], [1], [0, 0, 1, 1], [], []>, transpose_lhs_hint = false} : vector<1000x128xf32>, vector<128x40xf32>, vector<1000x40xf32> -> vector<1000x40xf32>
    %get3A_58 = arith.constant 0 : index
    %get3A_59 = arith.constant 0 : index
    %get3A_60 = vector.load %arg10[%get3A_58, %get3A_59] : memref<1x40xf32, #tpu.memory_space<vmem>>, vector<1x40xf32>
    %add3A_61 = vector.broadcast %get3A_60 : vector<1x40xf32> to vector<1000x40xf32>
    %add3A_62 = arith.addf %dot_general3A_57, %add3A_61 : vector<1000x40xf32>
    %swap3A = arith.constant 0 : index
    %swap3A_63 = arith.constant 0 : index
    %swap3A_64 = vector.load %arg11[%swap3A, %swap3A_63] : memref<1000x40xf32, #tpu.memory_space<vmem>>, vector<1000x40xf32>
    tpu.vector_store %arg11[%swap3A, %swap3A_63], %add3A_62 {strides = array<i32>} : memref<1000x40xf32, #tpu.memory_space<vmem>>, vector<1000x40xf32>,
    return
  }
  func.func @transform_0(%arg0: i32) -> (i32, i32) {
    %c0_i32 = arith.constant 0 : i32
    %c0_i32_0 = arith.constant 0 : i32
    return %arg0, %c0_i32 : i32, i32
  }
  func.func @transform_1(%arg0: i32) -> (i32, i32) {
    %c0_i32 = arith.constant 0 : i32
    %c0_i32_0 = arith.constant 0 : i32
    return %arg0, %c0_i32 : i32, i32
  }
  func.func @transform_2(%arg0: i32) -> (i32, i32) {
    %c0_i32 = arith.constant 0 : i32
    %c0_i32_0 = arith.constant 0 : i32
    return %arg0, %c0_i32 : i32, i32
  }
  func.func @transform_3(%arg0: i32) -> (i32, i32, i32) {
    %c0_i32 = arith.constant 0 : i32
    %c0_i32_0 = arith.constant 0 : i32
    %c0_i32_1 = arith.constant 0 : i32
    return %c0_i32, %arg0, %c0_i32_0 : i32, i32, i32
  }
  func.func @transform_4(%arg0: i32) -> (i32, i32, i32) {
    %c0_i32 = arith.constant 0 : i32
    %c0_i32_0 = arith.constant 0 : i32
    %c0_i32_1 = arith.constant 0 : i32
    return %c0_i32, %arg0, %c0_i32_0 : i32, i32, i32
  }
  func.func @transform_5(%arg0: i32) -> (i32, i32) {
    %c0_i32 = arith.constant 0 : i32
    %c0_i32_0 = arith.constant 0 : i32
    %c0_i32_1 = arith.constant 0 : i32
    return %c0_i32, %c0_i32_0 : i32, i32
  }
  func.func @transform_6(%arg0: i32) -> (i32, i32) {
    %c0_i32 = arith.constant 0 : i32
    %c0_i32_0 = arith.constant 0 : i32
    %c0_i32_1 = arith.constant 0 : i32
    return %c0_i32, %c0_i32_0 : i32, i32
  }
  func.func @transform_7(%arg0: i32) -> (i32, i32) {
    %c0_i32 = arith.constant 0 : i32
    %c0_i32_0 = arith.constant 0 : i32
    %c0_i32_1 = arith.constant 0 : i32
    return %c0_i32, %c0_i32_0 : i32, i32
  }
  func.func @transform_8(%arg0: i32) -> (i32, i32) {
    %c0_i32 = arith.constant 0 : i32
    %c0_i32_0 = arith.constant 0 : i32
    %c0_i32_1 = arith.constant 0 : i32
    return %c0_i32, %c0_i32_0 : i32, i32
  }
  func.func @transform_9(%arg0: i32) -> (i32, i32) {
    %c0_i32 = arith.constant 0 : i32
    %c0_i32_0 = arith.constant 0 : i32
    %c0_i32_1 = arith.constant 0 : i32
    return %c0_i32, %c0_i32_0 : i32, i32
  }
  func.func @transform_10(%arg0: i32) -> (i32, i32) {
    %c0_i32 = arith.constant 0 : i32
    %c0_i32_0 = arith.constant 0 : i32
    return %arg0, %c0_i32 : i32, i32
  }
}

</mosaic_0001>

<sc_bundles>
// kernel: kernel.12.cloned.1.call-start
scs
__scs_entry_jumppad:
0x0: {  	(pc) =	sbr.rel $0x88, $3  }
0x1: {  	(tag) =	ssettag $0x0;
	lr =	simm.s32 $0x1  }
0x2: {  	[smem:$0x3F87] =	sst lr;
	_ =	strace $0xD0000000  }
0x3: {  	_ = 	snop  }
0x4: {  	_ = 	snop  }
0x5: {  	_ = 	snop  }
0x6: {  	_ = 	snop  }
0x7: {  	_ = 	snop  }
__scs_overlays_trampoline_lowered:
0x8: {  	[smem:$0x3F96] =	sst s0  }
0x9: {  	[smem:$0x3F97] =	sst s1  }
0xa: {  	[smem:$0x3F98] =	sst s2  }
0xb: {  	[smem:$0x3F99] =	sst s3  }
0xc: {  	[smem:$0x3F9A] =	sst s4  }
0xd: {  	[smem:$0x3F9B] =	sst s5  }
0xe: {  	[smem:$0x3F9C] =	sst s6  }
0xf: {  	[smem:$0x3F9D] =	sst s7  }
0x10: {  	[smem:$0x3F9E] =	sst s8  }
0x11: {  	[smem:$0x3F9F] =	sst s9;
	s0 =	simm.s32 @!p0 $0x0  }
0x12: {  	s1 =	sld [smem:$0x3F85];
	s0 =	simm.s32 @p0 $0x1  }
0x13: {  	[smem:$0x3FA0] =	sst s0;
	s0 =	simm.s32 @!p1 $0x0  }
0x14: {  	s2 =	sld [smem:$0x3F84];
	s0 =	simm.s32 @p1 $0x1  }
0x15: {  	[smem:$0x3FA1] =	sst s0;
	s0 =	simm.s32 @!p2 $0x0  }
0x16: {  	s3 =	sld [smem:$0x3FDB];
	s0 =	simm.s32 @p2 $0x1  }
0x17: {  	s4 =	simm.s32 $0x1BF5;
	[smem:$0x3FA3] =	sst s0  }
0x18: {  	s0 =	sld [smem:$0x3F86];
	_ =	swait.ge [sflag:s4], $0x0  }
0x19: {  	s7 =	sld [smem:$0x3F87]  }
0x1a: {  	s8 =	sadd.s32 $0xFFFFE003, lr  }
0x1b: {  	s9 =	sadd.s32 $0xFFFFFEF7, lr;
	s5 =	simm.s32 $0xFFFFFFFF;
	p2 =	slt.u32 s8, $0xFFFFF086  }
0x1c: {  	p1 =	slt.u32 s9, $0xF7A;
	s5 =	simm.s32 @!p2 $0x0  }
0x1d: {  	s5 =	simm.s32 @p1 $0x1;
	p0 =	seq.s32 s7, s2  }
0x1e: {  	s7 =	smul.u32 @!p0 $0xF7A, s2;
	p2 =	seq.s32 @!p0 s5, $0x0  }
0x1f: {  	s9 =	smul.u32 $0xF7A, s1;
	s8 =	simm.s32 @!p0 $0x1BF5;
	p2 =	por !p2, p0  }
0x20: {  	[sflag:s8] =	ssyncset.s32 @!p0 $0xFFFFF086;
	s6 =	sadd.s32 @!p0 s3, s7;
	s7 =	simm.s32 @!p0 $0x108  }
0x21: {  	s3 =	sadd.s32 s3, s9;
	s6 =	sadd.s32 @!p0 $0x88, s6;
	s7 =	simm.s32 @p2 $0x1082  }
0x22: {  	[simem:s7], [sflag:s8] =	dma.local @!p0 [hbm:s6], $0xF7A  }
0x23: {  	s9 =	sor.u32 $0xD0000000, s2;
	s6 =	simm.s32 $0x108;
	_ =	swait.ge @!p0 [sflag:s8], $0x0  }
0x24: {  	s3 =	sadd.s32 $0x88, s3;
	s6 =	simm.s32 @!p1 $0x1082;
	[sflag:s4] =	ssyncset.s32 $0xFFFFF086  }
0x25: {  	[simem:s6], [sflag:s4] =	dma.local [hbm:s3], $0xF7A  }
0x26: {  	[smem:$0x3F87] =	sst s1;
	(tag) =	ssettag s2;
	_ =	strace s9  }
0x27: {  	s1 =	sld [smem:$0x3F97]  }
0x28: {  	s2 =	sld [smem:$0x3F98]  }
0x29: {  	s4 =	sld [smem:$0x3F9A]  }
0x2a: {  	p0 =	seq.s32 s5, $0x0;
	s5 =	sld [smem:$0x3F9B]  }
0x2b: {  	s6 =	sld [smem:$0x3F9C]  }
0x2c: {  	s7 =	sld [smem:$0x3F9D]  }
0x2d: {  	s3 =	simm.s32 $0x108;
	s8 =	sld [smem:$0x3F9E]  }
0x2e: {  	s3 =	simm.s32 @!p0 $0x1082;
	s9 =	sld [smem:$0x3F9F]  }
0x2f: {  	lr =	sadd.s32 s0, s3;
	s0 =	sld [smem:$0x3F96]  }
0x30: {  	s3 =	sld [smem:$0x3F99]  }
0x31: {  	[smem:$0x3FA2] =	sst s10  }
0x32: {  	s10 =	sld [smem:$0x3FA0];
	_ =	sdelay $0x3  }
0x33: {  	p0 =	seq.s32 s10, $0x1;
	s10 =	sld [smem:$0x3FA2];
	_ =	sdelay $0x3  }
0x34: {  	[smem:$0x3FA2] =	sst s10  }
0x35: {  	s10 =	sld [smem:$0x3FA1];
	_ =	sdelay $0x3  }
0x36: {  	p1 =	seq.s32 s10, $0x1;
	s10 =	sld [smem:$0x3FA2];
	_ =	sdelay $0x3  }
0x37: {  	[smem:$0x3FA2] =	sst s10  }
0x38: {  	s10 =	sld [smem:$0x3FA3]  }
0x39: {  	_ = 	snop;
	(pc) =	sbr.ind lr, $3  }
0x3a: {  	_ = 	snop  }
0x3b: {  	_ = 	snop  }
0x3c: {  	p2 =	seq.s32 s10, $0x1;
	s10 =	sld [smem:$0x3FA2]  }
0x3d: {  	_ =	shalt  }
0x3e: {  	_ =	shalt  }
0x3f: {  	_ =	shalt  }
0x40: {  	_ =	shalt  }
0x41: {  	_ =	shalt  }
0x42: {  	_ =	shalt  }
0x43: {  	_ =	shalt  }
0x44: {  	_ =	shalt  }
0x45: {  	_ =	shalt  }
0x46: {  	_ =	shalt  }
0x47: {  	_ =	shalt  }
0x48: {  	_ =	shalt  }
0x49: {  	_ =	shalt  }
0x4a: {  	_ =	shalt  }
0x4b: {  	_ =	shalt  }
0x4c: {  	_ =	shalt  }
0x4d: {  	_ =	shalt  }
0x4e: {  	_ =	shalt  }
0x4f: {  	_ =	shalt  }
0x50: {  	_ =	shalt  }
0x51: {  	_ =	shalt  }
0x52: {  	_ =	shalt  }
0x53: {  	_ =	shalt  }
0x54: {  	_ =	shalt  }
0x55: {  	_ =	shalt  }
0x56: {  	_ =	shalt  }
0x57: {  	_ =	shalt  }
0x58: {  	_ =	shalt  }
0x59: {  	_ =	shalt  }
0x5a: {  	_ =	shalt  }
0x5b: {  	_ =	shalt  }
0x5c: {  	_ =	shalt  }
0x5d: {  	_ =	shalt  }
0x5e: {  	_ =	shalt  }
0x5f: {  	_ =	shalt  }
0x60: {  	_ =	shalt  }
0x61: {  	_ =	shalt  }
0x62: {  	_ =	shalt  }
0x63: {  	_ =	shalt  }
0x64: {  	_ =	shalt  }
0x65: {  	_ =	shalt  }
0x66: {  	_ =	shalt  }
0x67: {  	_ =	shalt  }
0x68: {  	_ =	shalt  }
0x69: {  	_ =	shalt  }
0x6a: {  	_ =	shalt  }
0x6b: {  	_ =	shalt  }
0x6c: {  	_ =	shalt  }
0x6d: {  	_ =	shalt  }
0x6e: {  	_ =	shalt  }
0x6f: {  	_ =	shalt  }
0x70: {  	_ =	shalt  }
0x71: {  	_ =	shalt  }
0x72: {  	_ =	shalt  }
0x73: {  	_ =	shalt  }
0x74: {  	_ =	shalt  }
0x75: {  	_ =	shalt  }
0x76: {  	_ =	shalt  }
0x77: {  	_ =	shalt  }
0x78: {  	_ =	shalt  }
0x79: {  	_ =	shalt  }
0x7a: {  	_ =	shalt  }
0x7b: {  	_ =	shalt  }
0x7c: {  	_ =	shalt  }
0x7d: {  	_ =	shalt  }
0x7e: {  	_ =	shalt  }
0x7f: {  	_ =	shalt  }
0x80: {  	_ =	shalt  }
0x81: {  	_ =	shalt  }
0x82: {  	_ =	shalt  }
0x83: {  	_ =	shalt  }
0x84: {  	_ =	shalt  }
0x85: {  	_ =	shalt  }
0x86: {  	_ =	shalt  }
0x87: {  	_ =	shalt  }
.Lfunc_end0:
.L_simem_size_0:
called_computation.1_lowered:
.L_overlay_start_0:
0x88: {  	s2 =	sld [smem:$0x3FD9]  }
0x89: {  	s3 =	sld [smem:$0x3FFE];
	_ =	sdelay $0x1  }
0x8a: {  	s1 =	srdreg.scid  }
0x8b: {  	s0 =	sand.u32 $0x1, s1  }
0x8c: {  	s17 =	sshll.u32 s0, $0xA;
	s2 =	sadd.s32 s3, s2  }
0x8d: {  	s2 =	sadd.s32 s2, s17  }
0x8e: {  	[smem:$0x3FAE] =	sst s2  }
0x8f: {  	_ = 	snop  }
0x90: {  	s2 =	sld [smem:$0x3FD0];
	(tm) =	ssettm $0x1  }
0x91: {  	s18 =	sld [smem:$0x3FFB];
	_ =	sdelay $0x3  }
0x92: {  	_ =	strace s18  }
0x93: {  	s3 =	sld [smem:$0x3FFC];
	_ =	sdelay $0x3  }
0x94: {  	_ =	strace s3  }
0x95: {  	s3 =	sld [smem:$0x3FFD];
	_ =	sdelay $0x3  }
0x96: {  	_ =	strace s3  }
0x97: {  	_ =	strace $0x8FFFFFFF  }
0x98: {  	s19 =	sld [smem:$0x3FDB];
	_ =	sdelay $0x1  }
0x99: {  	s4 =	simm.s32 $_scs_section_size  }
0x9a: {  	s5 =	simm.s32 $_size__tile_overlayer_lowered;
	s6 =	simm.s32 $_tile_overlayer_lowered  }
0x9b: {  	s22 =	simm.s32 $0x1BFF;
	s21 =	sshll.u32 s6, $0x1;
	s3 =	sadd.s32 s4, s19  }
0x9c: {  	s7 =	simm.s32 $0x0;
	s20 =	sshll.u32 s5, $0x1;
	s5 =	sadd.s32 s21, s3  }
0x9d: {  	[timem:s7], [sflag:s22] =	dma.local [hbm:s5], s20  }
0x9e: {  	_ =	swait.ge [sflag:s22], s20  }
0x9f: {  	s4 =	ssub.s32 $0x0, s20;
	[sflag:s22] =	ssyncset.done $0x0  }
0xa0: {  	[sflag:s22] =	ssyncadd.s32 s4;
	_ =	sdelay $0x1  }
0xa1: {  	s23 =	simm.s32 $0x1B8B  }
0xa2: {  	_ =	swait.ge [sflag:s23], $0x1  }
0xa3: {  	[sflag:s23] =	ssyncset.done $0x0  }
0xa4: {  	s25 =	simm.s32 $0x1B8E;
	s24 =	sld [smem:$0x3FFE];
	[sflag:s23] =	ssyncadd.s32 $0xFFFFFFFF  }
0xa5: {  	s26 =	simm.s32 $execute0_lowered;
	[smem:$0x3FD2] =	sst s25  }
0xa6: {  	s5 =	sshll.u32 s26, $0x1;
	_ =	strace $0x80000049;
	[dreg:$0x1] =	wrdreg $0xFFFFFFFF  }
0xa7: {  	s28 =	simm.s32 $_size_execute0_lowered;
	s3 =	sadd.s32 s3, s5;
	[dreg:$0x0] =	wrdreg $0x0  }
0xa8: {  	s5 =	sshll.u32 s28, $0x1;
	[dreg:$0x2] =	wrdreg s3  }
0xa9: {  	[dreg:$0x3] =	wrdreg s5  }
0xaa: {  	[dreg:$0x4] =	wrdreg $0xC0  }
0xab: {  	_ =	task [dreg:s7], $0x5FFFF  }
0xac: {  	[dreg:$0x1] =	wrdreg $0xFFFFFFFF  }
0xad: {  	[dreg:$0x0] =	wrdreg $0x60  }
0xae: {  	[dreg:$0x2] =	wrdreg s24  }
0xaf: {  	[dreg:$0x3] =	wrdreg s2  }
0xb0: {  	[dreg:$0x4] =	wrdreg $0x41000  }
0xb1: {  	[dreg:$0x5] =	wrdreg $0x9  }
0xb2: {  	_ =	task.clear_ibuf [dreg:s7], $0x6FFFF;
	_ =	strace $0x90000049  }
0xb3: {  	s29 =	simm.s32 $0x9;
	_ =	strace $0x8000004B  }
0xb4: {  	_ =	swait.ge [sflag:s29], $0x1  }
0xb5: {  	[sflag:s29] =	ssyncadd.s32 $0xFFFFFFFF  }
0xb6: {  	_ =	strace $0x9000004B  }
0xb7: {  	_ =	sfence  }
0xb8: {  	s30 =	sld [smem:$0x0];
	_ =	sdelay $0x2  }
0xb9: {  	s31 =	sshll.u32 s1, $0xD;
	s1 =	sshrl.u32 s1, $0x2  }
0xba: {  	s3 =	sand.u32 $0x4000, s31;
	s1 =	sadd.s32 s1, s30  }
0xbb: {  	s0 =	sor.u32 s3, s0;
	s1 =	sshll.u32 s1, $0x11  }
0xbc: {  	s0 =	sor.u32 s1, s0  }
0xbd: {  	s0 =	sadd.s32 $0x8F2B, s0  }
0xbe: {  	[sflag:s0] =	ssyncadd.remote.s32 $0x1  }
0xbf: {  	_ =	sfence.sel $0xFFFF  }
0xc0: {  	[dreg:$0x0] =	wrdreg $0xFFFFFFFF;
	(pc) =	sbr.abs _section_cstart, $3  }
0xc1: {  	[dreg:$0x1] =	wrdreg $0xFFFFFFFF  }
0xc2: {  	_ =	task.clear_ibuf [dreg:s7], $0x2FFFF;
	_ =	strace $0x9FFFFFFF  }
0xc3: {  	(tm) =	ssettm $0x7FFFFFFF  }
tec
execute0_lowered:
.L_overlay_start_1:
0x0: {  	(tag) =	ssettag $0x1  }
0x1: {  	s6 =	rddreg [dreg:$0x0]  }
0x2: {  	s11 =	rddreg [dreg:$0x1];
	s0 =	stileid.u32  }
0x3: {  	s1 =	srdreg.scid;
	s3 =	smul.u32 $0x3E, s0  }
0x4: {  	s2 =	rddreg [dreg:$0x2];
	s16 =	simm.s32 $0x1;
	s4 =	smul.u32 $0x60, s0  }
0x5: {  	s17 =	simm.s32 $0x0;
	s5 =	sand.u32 $0x1, s1;
	s28 =	smul.u32 $0x13C00, s0  }
0x6: {  	s1 =	rddreg [dreg:$0x3];
	s9 =	smul.u32 $0x4F000, s0;
	s31 =	sshll.u32 s0, $0x6  }
0x7: {  	p0 =	seq.s32 s5, $0x0;
	s8 =	smul.u32 $0x13C000, s5;
	s29 =	ssub.s32 $0x2, s5  }
0x8: {  	s5 =	sadd.s32 $0x5DC00, s6;
	s7 =	sadd.s32 $0x600, s3;
	s3 =	simm.s32 $0x0  }
0x9: {  	s13 =	sshrl.u32 s29, $0x1;
	s30 =	sshrl.u32 s9, $0x2;
	s7 =	smov.u32 @p0 s4  }
0xa: {  	[smem:$0x7FF] =	sst s3;
	s4 =	sadd.s32 $0xAFE00, s6;
	s13 =	ssub.s32 s29, s13  }
0xb: {  	s15 =	sadd.s32 s30, s2;
	s12 =	sshll.u32 s7, $0x4;
	_ =	strace $0x8000004A  }
0xc: {  	s7 =	sadd.s32 s28, s8;
	s9 =	smax.u32 s13, $0x1;
	s13 =	simm.s32 $0x2  }
0xd: {  	s10 =	sadd.s32 s12, s6;
	s7 =	sshrl.u32 s7, $0x3;
	s11 =	sadd.s32 s12, s11  }
0xe: {  	s12 =	sshrl.u32 s15, $0x3;
	s15 =	simm.s32 $0x100;
	s14 =	sadd.s32 s7, s6  }
0xf: {  	s6 =	simm.s32 $0x60;
	s7 =	sor.u32 $0x1C02, s31;
	s10 =	sadd.s32 $0x5C00, s10  }
0x10: {  	s6 =	simm.s32 @!p0 $0x3E;
	s8 =	sadd.s32 $0xD7000, s14;
	s14 =	simm.s32 $0x80  }
.LBB2_1:
0x11: {  	[spmem:s12], [sflag:s7] =	dma.local [hbm:s5], $0x2780  }
0x12: {  	_ =	swait.ge [sflag:s13], $0x2780  }
0x13: {  	[sflag:s13] =	ssyncset.done $0x0  }
0x14: {  	[sflag:s13] =	ssyncadd.s32 $0xFFFFD880  }
0x15: {  	[bflag:$0x0] =	sbarrier.arrive $0xFFFF  }
0x16: {  	[tilespmem:s3], [sflag:$0x2] =	stream.linear.gather [hbm4b:s11+s3], $0x80, $0x38;
	[tilespmem:$0x17D00] =	vst v63  }
0x17: {  	_ =	swait.ge [sflag:s13], $0x80  }
0x18: {  	[sflag:s13] =	ssyncset.done $0x0  }
0x19: {  	[sflag:s13] =	ssyncadd.s32 $0xFFFFFF80  }
0x1a: {  	[tilespmem:s14], [sflag:$0x2] =	stream.linear.gather [hbm4b:s10+s3], $0x80, $0x38;
	[tilespmem:$0x17D00] =	vst v63  }
0x1b: {  	_ =	swait.ge [sflag:s13], $0x80  }
0x1c: {  	[sflag:s13] =	ssyncset.done $0x0  }
0x1d: {  	[sflag:s13] =	ssyncadd.s32 $0xFFFFFF80  }
0x1e: {  	[tilespmem:s15], [sflag:$0x1] =	stream.indirect.gather [hbm4b:s4+s14], $0x80, s3, s14, $0xb8;
	[tilespmem:$0x17D00] =	vst v63  }
0x1f: {  	p0 =	sne.s32 s6, $0x1;
	_ =	swait.ge [sflag:s16], $0x4000  }
.Ltmp0:
0x20: {  	[sflag:s16] =	ssyncset.done $0x0;
	(pc) =	sbr.rel @!p0 .LBB2_3-.Ltmp0, $4  }
0x21: {  	[sflag:s16] =	ssyncadd.s32 $0xFFFFC000  }
0x22: {  	[spmem:s2] =	stream.indirect.scatter.add.f32 [tilespmem:s15], [sflag:$0x2], $0x80, s14, s14, $0xb8;
	[tilespmem:$0x17D00] =	vst v63  }
0x23: {  	s18 =	sadd.s32 $0xFFFFFFFF, s6;
	_ =	swait.ge [sflag:s13], $0x4000  }
0x24: {  	s19 =	smov.u32 s10;
	s20 =	smov.u32 s11;
	[sflag:s13] =	ssyncset.done $0x0  }
.LBB2_2:
0x25: {  	[sflag:s13] =	ssyncadd.s32 $0xFFFFC000;
	s19 =	sadd.s32 $0x10, s19;
	s20 =	sadd.s32 $0x10, s20  }
0x26: {  	[tilespmem:s3], [sflag:$0x2] =	stream.linear.gather [hbm4b:s20+s3], $0x80, $0x38;
	[tilespmem:$0x17D00] =	vst v63  }
0x27: {  	p0 =	sne.s32 s18, $0x1;
	s18 =	sadd.s32 $0xFFFFFFFF, s18;
	_ =	swait.ge [sflag:s13], $0x80  }
0x28: {  	[sflag:s13] =	ssyncset.done $0x0  }
0x29: {  	[sflag:s13] =	ssyncadd.s32 $0xFFFFFF80  }
0x2a: {  	[tilespmem:s14], [sflag:$0x2] =	stream.linear.gather [hbm4b:s19+s3], $0x80, $0x38;
	[tilespmem:$0x17D00] =	vst v63  }
0x2b: {  	_ =	swait.ge [sflag:s13], $0x80  }
0x2c: {  	[sflag:s13] =	ssyncset.done $0x0  }
0x2d: {  	[sflag:s13] =	ssyncadd.s32 $0xFFFFFF80  }
0x2e: {  	[tilespmem:s15], [sflag:$0x1] =	stream.indirect.gather [hbm4b:s4+s14], $0x80, s3, s14, $0xb8;
	[tilespmem:$0x17D00] =	vst v63  }
0x2f: {  	_ =	swait.ge [sflag:s16], $0x4000  }
.Ltmp1:
0x30: {  	[sflag:s16] =	ssyncset.done $0x0;
	(pc) =	sbr.rel @p0 .LBB2_2-.Ltmp1, $4  }
0x31: {  	[sflag:s16] =	ssyncadd.s32 $0xFFFFC000  }
0x32: {  	[spmem:s2] =	stream.indirect.scatter.add.f32 [tilespmem:s15], [sflag:$0x2], $0x80, s14, s14, $0xb8;
	[tilespmem:$0x17D00] =	vst v63  }
0x33: {  	_ =	swait.ge [sflag:s13], $0x4000  }
0x34: {  	[sflag:s13] =	ssyncset.done $0x0  }
.LBB2_3:
0x35: {  	s17 =	sadd.s32 $0x1, s17  }
0x36: {  	[sflag:s13] =	ssyncadd.s32 $0xFFFFC000;
	p0 =	sne.s32 s17, s9  }
.Ltmp2:
0x37: {  	[bflag:$0x0] =	sbarrier.arrive $0xFFFF;
	(pc) =	sbr.rel @p0 .LBB2_1-.Ltmp2, $4  }
0x38: {  	[hbm:s8], [sflag:s7] =	dma.local [spmem:s12], $0x2780  }
0x39: {  	_ =	swait.ge [sflag:s13], $0x2780  }
0x3a: {  	[sflag:s13] =	ssyncset.done $0x0  }
0x3b: {  	[sflag:s13] =	ssyncadd.s32 $0xFFFFD880  }
0x3c: {  	_ =	sfence.sel $0x180000  }
0x3d: {  	[bflag:$0x0] =	sbarrier.arrive $0xFFFF  }
0x3e: {  	p0 =	sne.s32 s0, $0x0;
	_ =	strace $0x9000004A  }
0x3f: {  	s0 =	sadd.s32 @!p0 $0x100000, s1;
	[bflag:$0x2] =	sbarrier.arrive $0xFFFF  }
0x40: {  	[sflag:s0] =	ssyncadd.tile.s32 @!p0 $0x1;
	_ =	shalt  }
.Lfunc_end2:
_tile_overlayer_lowered:
.L_overlay_start_2:
0x41: {  	(tag) =	ssettag $0x2  }
0x42: {  	s0 =	rddreg [dreg:$0x0];
	s2 =	stileid.u32  }
0x43: {  	s1 =	rddreg [dreg:$0x1];
	p0 =	sne.s32 s2, $0x0  }
0x44: {  	s3 =	rddreg [dreg:$0x2];
	[bflag:$0x3] =	sbarrier.arrive $0xFFFF;
	s2 =	simm.s32 @!p0 $0x1C02  }
0x45: {  	[timem:s3], [sflag:s2] =	dma.local @!p0 [hbm:s0], s1  }
0x46: {  	s0 =	simm.s32 @!p0 $0x2  }
0x47: {  	_ =	swait.ge @!p0 [sflag:s0], s1  }
0x48: {  	s1 =	ssub.s32 @!p0 $0x0, s1;
	[sflag:s0] =	ssyncset.done @!p0 $0x0  }
0x49: {  	[sflag:s0] =	ssyncadd.s32 @!p0 s1  }
0x4a: {  	[bflag:$0x3] =	sbarrier.arrive $0xFFFF  }
0x4b: {  	_ =	shalt  }

// kernel: kernel.15.cloned.1.call-start
scs
__scs_entry_jumppad:
0x0: {  	(pc) =	sbr.rel $0x88, $3  }
0x1: {  	(tag) =	ssettag $0x0;
	lr =	simm.s32 $0x1  }
0x2: {  	[smem:$0x3F87] =	sst lr;
	_ =	strace $0xD0000000  }
0x3: {  	_ = 	snop  }
0x4: {  	_ = 	snop  }
0x5: {  	_ = 	snop  }
0x6: {  	_ = 	snop  }
0x7: {  	_ = 	snop  }
__scs_overlays_trampoline_lowered:
0x8: {  	[smem:$0x3F96] =	sst s0  }
0x9: {  	[smem:$0x3F97] =	sst s1  }
0xa: {  	[smem:$0x3F98] =	sst s2  }
0xb: {  	[smem:$0x3F99] =	sst s3  }
0xc: {  	[smem:$0x3F9A] =	sst s4  }
0xd: {  	[smem:$0x3F9B] =	sst s5  }
0xe: {  	[smem:$0x3F9C] =	sst s6  }
0xf: {  	[smem:$0x3F9D] =	sst s7  }
0x10: {  	[smem:$0x3F9E] =	sst s8  }
0x11: {  	[smem:$0x3F9F] =	sst s9;
	s0 =	simm.s32 @!p0 $0x0  }
0x12: {  	s1 =	sld [smem:$0x3F85];
	s0 =	simm.s32 @p0 $0x1  }
0x13: {  	[smem:$0x3FA0] =	sst s0;
	s0 =	simm.s32 @!p1 $0x0  }
0x14: {  	s2 =	sld [smem:$0x3F84];
	s0 =	simm.s32 @p1 $0x1  }
0x15: {  	[smem:$0x3FA1] =	sst s0;
	s0 =	simm.s32 @!p2 $0x0  }
0x16: {  	s3 =	sld [smem:$0x3FDB];
	s0 =	simm.s32 @p2 $0x1  }
0x17: {  	s4 =	simm.s32 $0x1BF5;
	[smem:$0x3FA3] =	sst s0  }
0x18: {  	s0 =	sld [smem:$0x3F86];
	_ =	swait.ge [sflag:s4], $0x0  }
0x19: {  	s7 =	sld [smem:$0x3F87]  }
0x1a: {  	s8 =	sadd.s32 $0xFFFFE003, lr  }
0x1b: {  	s9 =	sadd.s32 $0xFFFFFEF7, lr;
	s5 =	simm.s32 $0xFFFFFFFF;
	p2 =	slt.u32 s8, $0xFFFFF086  }
0x1c: {  	p1 =	slt.u32 s9, $0xF7A;
	s5 =	simm.s32 @!p2 $0x0  }
0x1d: {  	s5 =	simm.s32 @p1 $0x1;
	p0 =	seq.s32 s7, s2  }
0x1e: {  	s7 =	smul.u32 @!p0 $0xF7A, s2;
	p2 =	seq.s32 @!p0 s5, $0x0  }
0x1f: {  	s9 =	smul.u32 $0xF7A, s1;
	s8 =	simm.s32 @!p0 $0x1BF5;
	p2 =	por !p2, p0  }
0x20: {  	[sflag:s8] =	ssyncset.s32 @!p0 $0xFFFFF086;
	s6 =	sadd.s32 @!p0 s3, s7;
	s7 =	simm.s32 @!p0 $0x108  }
0x21: {  	s3 =	sadd.s32 s3, s9;
	s6 =	sadd.s32 @!p0 $0x88, s6;
	s7 =	simm.s32 @p2 $0x1082  }
0x22: {  	[simem:s7], [sflag:s8] =	dma.local @!p0 [hbm:s6], $0xF7A  }
0x23: {  	s9 =	sor.u32 $0xD0000000, s2;
	s6 =	simm.s32 $0x108;
	_ =	swait.ge @!p0 [sflag:s8], $0x0  }
0x24: {  	s3 =	sadd.s32 $0x88, s3;
	s6 =	simm.s32 @!p1 $0x1082;
	[sflag:s4] =	ssyncset.s32 $0xFFFFF086  }
0x25: {  	[simem:s6], [sflag:s4] =	dma.local [hbm:s3], $0xF7A  }
0x26: {  	[smem:$0x3F87] =	sst s1;
	(tag) =	ssettag s2;
	_ =	strace s9  }
0x27: {  	s1 =	sld [smem:$0x3F97]  }
0x28: {  	s2 =	sld [smem:$0x3F98]  }
0x29: {  	s4 =	sld [smem:$0x3F9A]  }
0x2a: {  	p0 =	seq.s32 s5, $0x0;
	s5 =	sld [smem:$0x3F9B]  }
0x2b: {  	s6 =	sld [smem:$0x3F9C]  }
0x2c: {  	s7 =	sld [smem:$0x3F9D]  }
0x2d: {  	s3 =	simm.s32 $0x108;
	s8 =	sld [smem:$0x3F9E]  }
0x2e: {  	s3 =	simm.s32 @!p0 $0x1082;
	s9 =	sld [smem:$0x3F9F]  }
0x2f: {  	lr =	sadd.s32 s0, s3;
	s0 =	sld [smem:$0x3F96]  }
0x30: {  	s3 =	sld [smem:$0x3F99]  }
0x31: {  	[smem:$0x3FA2] =	sst s10  }
0x32: {  	s10 =	sld [smem:$0x3FA0];
	_ =	sdelay $0x3  }
0x33: {  	p0 =	seq.s32 s10, $0x1;
	s10 =	sld [smem:$0x3FA2];
	_ =	sdelay $0x3  }
0x34: {  	[smem:$0x3FA2] =	sst s10  }
0x35: {  	s10 =	sld [smem:$0x3FA1];
	_ =	sdelay $0x3  }
0x36: {  	p1 =	seq.s32 s10, $0x1;
	s10 =	sld [smem:$0x3FA2];
	_ =	sdelay $0x3  }
0x37: {  	[smem:$0x3FA2] =	sst s10  }
0x38: {  	s10 =	sld [smem:$0x3FA3]  }
0x39: {  	_ = 	snop;
	(pc) =	sbr.ind lr, $3  }
0x3a: {  	_ = 	snop  }
0x3b: {  	_ = 	snop  }
0x3c: {  	p2 =	seq.s32 s10, $0x1;
	s10 =	sld [smem:$0x3FA2]  }
0x3d: {  	_ =	shalt  }
0x3e: {  	_ =	shalt  }
0x3f: {  	_ =	shalt  }
0x40: {  	_ =	shalt  }
0x41: {  	_ =	shalt  }
0x42: {  	_ =	shalt  }
0x43: {  	_ =	shalt  }
0x44: {  	_ =	shalt  }
0x45: {  	_ =	shalt  }
0x46: {  	_ =	shalt  }
0x47: {  	_ =	shalt  }
0x48: {  	_ =	shalt  }
0x49: {  	_ =	shalt  }
0x4a: {  	_ =	shalt  }
0x4b: {  	_ =	shalt  }
0x4c: {  	_ =	shalt  }
0x4d: {  	_ =	shalt  }
0x4e: {  	_ =	shalt  }
0x4f: {  	_ =	shalt  }
0x50: {  	_ =	shalt  }
0x51: {  	_ =	shalt  }
0x52: {  	_ =	shalt  }
0x53: {  	_ =	shalt  }
0x54: {  	_ =	shalt  }
0x55: {  	_ =	shalt  }
0x56: {  	_ =	shalt  }
0x57: {  	_ =	shalt  }
0x58: {  	_ =	shalt  }
0x59: {  	_ =	shalt  }
0x5a: {  	_ =	shalt  }
0x5b: {  	_ =	shalt  }
0x5c: {  	_ =	shalt  }
0x5d: {  	_ =	shalt  }
0x5e: {  	_ =	shalt  }
0x5f: {  	_ =	shalt  }
0x60: {  	_ =	shalt  }
0x61: {  	_ =	shalt  }
0x62: {  	_ =	shalt  }
0x63: {  	_ =	shalt  }
0x64: {  	_ =	shalt  }
0x65: {  	_ =	shalt  }
0x66: {  	_ =	shalt  }
0x67: {  	_ =	shalt  }
0x68: {  	_ =	shalt  }
0x69: {  	_ =	shalt  }
0x6a: {  	_ =	shalt  }
0x6b: {  	_ =	shalt  }
0x6c: {  	_ =	shalt  }
0x6d: {  	_ =	shalt  }
0x6e: {  	_ =	shalt  }
0x6f: {  	_ =	shalt  }
0x70: {  	_ =	shalt  }
0x71: {  	_ =	shalt  }
0x72: {  	_ =	shalt  }
0x73: {  	_ =	shalt  }
0x74: {  	_ =	shalt  }
0x75: {  	_ =	shalt  }
0x76: {  	_ =	shalt  }
0x77: {  	_ =	shalt  }
0x78: {  	_ =	shalt  }
0x79: {  	_ =	shalt  }
0x7a: {  	_ =	shalt  }
0x7b: {  	_ =	shalt  }
0x7c: {  	_ =	shalt  }
0x7d: {  	_ =	shalt  }
0x7e: {  	_ =	shalt  }
0x7f: {  	_ =	shalt  }
0x80: {  	_ =	shalt  }
0x81: {  	_ =	shalt  }
0x82: {  	_ =	shalt  }
0x83: {  	_ =	shalt  }
0x84: {  	_ =	shalt  }
0x85: {  	_ =	shalt  }
0x86: {  	_ =	shalt  }
0x87: {  	_ =	shalt  }
.Lfunc_end0:
.L_simem_size_0:
called_computation.2_lowered:
.L_overlay_start_0:
0x88: {  	s2 =	sld [smem:$0x3FD9]  }
0x89: {  	s3 =	sld [smem:$0x3FFE];
	_ =	sdelay $0x1  }
0x8a: {  	s1 =	srdreg.scid  }
0x8b: {  	s0 =	sand.u32 $0x1, s1  }
0x8c: {  	s17 =	sshll.u32 s0, $0xA;
	s2 =	sadd.s32 s3, s2  }
0x8d: {  	s2 =	sadd.s32 s2, s17  }
0x8e: {  	[smem:$0x3FAE] =	sst s2  }
0x8f: {  	_ = 	snop  }
0x90: {  	s2 =	sld [smem:$0x3FD0];
	(tm) =	ssettm $0x1  }
0x91: {  	s18 =	sld [smem:$0x3FFB];
	_ =	sdelay $0x3  }
0x92: {  	_ =	strace s18  }
0x93: {  	s3 =	sld [smem:$0x3FFC];
	_ =	sdelay $0x3  }
0x94: {  	_ =	strace s3  }
0x95: {  	s3 =	sld [smem:$0x3FFD];
	_ =	sdelay $0x3  }
0x96: {  	_ =	strace s3  }
0x97: {  	_ =	strace $0x8FFFFFFF  }
0x98: {  	s19 =	sld [smem:$0x3FDB];
	_ =	sdelay $0x1  }
0x99: {  	s4 =	simm.s32 $_scs_section_size  }
0x9a: {  	s5 =	simm.s32 $_size__tile_overlayer_lowered;
	s6 =	simm.s32 $_tile_overlayer_lowered  }
0x9b: {  	s22 =	simm.s32 $0x1BFF;
	s21 =	sshll.u32 s6, $0x1;
	s3 =	sadd.s32 s4, s19  }
0x9c: {  	s7 =	simm.s32 $0x0;
	s20 =	sshll.u32 s5, $0x1;
	s5 =	sadd.s32 s21, s3  }
0x9d: {  	[timem:s7], [sflag:s22] =	dma.local [hbm:s5], s20  }
0x9e: {  	_ =	swait.ge [sflag:s22], s20  }
0x9f: {  	s4 =	ssub.s32 $0x0, s20;
	[sflag:s22] =	ssyncset.done $0x0  }
0xa0: {  	[sflag:s22] =	ssyncadd.s32 s4;
	_ =	sdelay $0x1  }
0xa1: {  	s23 =	simm.s32 $0x1B8B  }
0xa2: {  	_ =	swait.ge [sflag:s23], $0x1  }
0xa3: {  	[sflag:s23] =	ssyncset.done $0x0  }
0xa4: {  	s25 =	simm.s32 $0x1B8E;
	s24 =	sld [smem:$0x3FFE];
	[sflag:s23] =	ssyncadd.s32 $0xFFFFFFFF  }
0xa5: {  	s26 =	simm.s32 $execute0_lowered;
	[smem:$0x3FD2] =	sst s25  }
0xa6: {  	s5 =	sshll.u32 s26, $0x1;
	_ =	strace $0x8000004C;
	[dreg:$0x1] =	wrdreg $0xFFFFFFFF  }
0xa7: {  	s28 =	simm.s32 $_size_execute0_lowered;
	s3 =	sadd.s32 s3, s5;
	[dreg:$0x0] =	wrdreg $0x0  }
0xa8: {  	s5 =	sshll.u32 s28, $0x1;
	[dreg:$0x2] =	wrdreg s3  }
0xa9: {  	[dreg:$0x3] =	wrdreg s5  }
0xaa: {  	[dreg:$0x4] =	wrdreg $0xC0  }
0xab: {  	_ =	task [dreg:s7], $0x5FFFF  }
0xac: {  	[dreg:$0x1] =	wrdreg $0xFFFFFFFF  }
0xad: {  	[dreg:$0x0] =	wrdreg $0x60  }
0xae: {  	[dreg:$0x2] =	wrdreg s24  }
0xaf: {  	[dreg:$0x3] =	wrdreg s2  }
0xb0: {  	[dreg:$0x4] =	wrdreg $0x41000  }
0xb1: {  	[dreg:$0x5] =	wrdreg $0x9  }
0xb2: {  	_ =	task.clear_ibuf [dreg:s7], $0x6FFFF;
	_ =	strace $0x9000004C  }
0xb3: {  	s29 =	simm.s32 $0x9;
	_ =	strace $0x8000004E  }
0xb4: {  	_ =	swait.ge [sflag:s29], $0x1  }
0xb5: {  	[sflag:s29] =	ssyncadd.s32 $0xFFFFFFFF  }
0xb6: {  	_ =	strace $0x9000004E  }
0xb7: {  	_ =	sfence  }
0xb8: {  	s30 =	sld [smem:$0x0];
	_ =	sdelay $0x2  }
0xb9: {  	s31 =	sshll.u32 s1, $0xD;
	s1 =	sshrl.u32 s1, $0x2  }
0xba: {  	s3 =	sand.u32 $0x4000, s31;
	s1 =	sadd.s32 s1, s30  }
0xbb: {  	s0 =	sor.u32 s3, s0;
	s1 =	sshll.u32 s1, $0x11  }
0xbc: {  	s0 =	sor.u32 s1, s0  }
0xbd: {  	s0 =	sadd.s32 $0x8F2B, s0  }
0xbe: {  	[sflag:s0] =	ssyncadd.remote.s32 $0x1  }
0xbf: {  	_ =	sfence.sel $0xFFFF  }
0xc0: {  	[dreg:$0x0] =	wrdreg $0xFFFFFFFF;
	(pc) =	sbr.abs _section_cstart, $3  }
0xc1: {  	[dreg:$0x1] =	wrdreg $0xFFFFFFFF  }
0xc2: {  	_ =	task.clear_ibuf [dreg:s7], $0x2FFFF;
	_ =	strace $0x9FFFFFFF  }
0xc3: {  	(tm) =	ssettm $0x7FFFFFFF  }
tec
execute0_lowered:
.L_overlay_start_1:
0x0: {  	(tag) =	ssettag $0x1  }
0x1: {  	s6 =	rddreg [dreg:$0x0]  }
0x2: {  	s11 =	rddreg [dreg:$0x1];
	s0 =	stileid.u32  }
0x3: {  	s1 =	srdreg.scid;
	s3 =	smul.u32 $0x3E, s0  }
0x4: {  	s2 =	rddreg [dreg:$0x2];
	s16 =	simm.s32 $0x1;
	s4 =	smul.u32 $0x60, s0  }
0x5: {  	s17 =	simm.s32 $0x0;
	s5 =	sand.u32 $0x1, s1;
	s28 =	smul.u32 $0x13C00, s0  }
0x6: {  	s1 =	rddreg [dreg:$0x3];
	s9 =	smul.u32 $0x4F000, s0;
	s31 =	sshll.u32 s0, $0x6  }
0x7: {  	p0 =	seq.s32 s5, $0x0;
	s8 =	smul.u32 $0x13C000, s5;
	s29 =	ssub.s32 $0x2, s5  }
0x8: {  	s5 =	sadd.s32 $0x5DC00, s6;
	s7 =	sadd.s32 $0x600, s3;
	s3 =	simm.s32 $0x0  }
0x9: {  	s13 =	sshrl.u32 s29, $0x1;
	s30 =	sshrl.u32 s9, $0x2;
	s7 =	smov.u32 @p0 s4  }
0xa: {  	[smem:$0x7FF] =	sst s3;
	s4 =	sadd.s32 $0x60400, s6;
	s13 =	ssub.s32 s29, s13  }
0xb: {  	s15 =	sadd.s32 s30, s2;
	s12 =	sshll.u32 s7, $0x4;
	_ =	strace $0x8000004D  }
0xc: {  	s7 =	sadd.s32 s28, s8;
	s9 =	smax.u32 s13, $0x1;
	s13 =	simm.s32 $0x2  }
0xd: {  	s10 =	sadd.s32 s12, s6;
	s7 =	sshrl.u32 s7, $0x3;
	s11 =	sadd.s32 s12, s11  }
0xe: {  	s12 =	sshrl.u32 s15, $0x3;
	s15 =	simm.s32 $0x100;
	s14 =	sadd.s32 s7, s6  }
0xf: {  	s6 =	simm.s32 $0x60;
	s7 =	sor.u32 $0x1C02, s31;
	s10 =	sadd.s32 $0x5C00, s10  }
0x10: {  	s6 =	simm.s32 @!p0 $0x3E;
	s8 =	sadd.s32 $0x87600, s14;
	s14 =	simm.s32 $0x80  }
.LBB2_1:
0x11: {  	[spmem:s12], [sflag:s7] =	dma.local [hbm:s5], $0x2780  }
0x12: {  	_ =	swait.ge [sflag:s13], $0x2780  }
0x13: {  	[sflag:s13] =	ssyncset.done $0x0  }
0x14: {  	[sflag:s13] =	ssyncadd.s32 $0xFFFFD880  }
0x15: {  	[bflag:$0x0] =	sbarrier.arrive $0xFFFF  }
0x16: {  	[tilespmem:s3], [sflag:$0x2] =	stream.linear.gather [hbm4b:s11+s3], $0x80, $0x38;
	[tilespmem:$0x17D00] =	vst v63  }
0x17: {  	_ =	swait.ge [sflag:s13], $0x80  }
0x18: {  	[sflag:s13] =	ssyncset.done $0x0  }
0x19: {  	[sflag:s13] =	ssyncadd.s32 $0xFFFFFF80  }
0x1a: {  	[tilespmem:s14], [sflag:$0x2] =	stream.linear.gather [hbm4b:s10+s3], $0x80, $0x38;
	[tilespmem:$0x17D00] =	vst v63  }
0x1b: {  	_ =	swait.ge [sflag:s13], $0x80  }
0x1c: {  	[sflag:s13] =	ssyncset.done $0x0  }
0x1d: {  	[sflag:s13] =	ssyncadd.s32 $0xFFFFFF80  }
0x1e: {  	[tilespmem:s15], [sflag:$0x1] =	stream.indirect.gather [hbm4b:s4+s14], $0x80, s3, s14, $0xb8;
	[tilespmem:$0x17D00] =	vst v63  }
0x1f: {  	p0 =	sne.s32 s6, $0x1;
	_ =	swait.ge [sflag:s16], $0x4000  }
.Ltmp0:
0x20: {  	[sflag:s16] =	ssyncset.done $0x0;
	(pc) =	sbr.rel @!p0 .LBB2_3-.Ltmp0, $4  }
0x21: {  	[sflag:s16] =	ssyncadd.s32 $0xFFFFC000  }
0x22: {  	[spmem:s2] =	stream.indirect.scatter.add.f32 [tilespmem:s15], [sflag:$0x2], $0x80, s14, s14, $0xb8;
	[tilespmem:$0x17D00] =	vst v63  }
0x23: {  	s18 =	sadd.s32 $0xFFFFFFFF, s6;
	_ =	swait.ge [sflag:s13], $0x4000  }
0x24: {  	s19 =	smov.u32 s10;
	s20 =	smov.u32 s11;
	[sflag:s13] =	ssyncset.done $0x0  }
.LBB2_2:
0x25: {  	[sflag:s13] =	ssyncadd.s32 $0xFFFFC000;
	s19 =	sadd.s32 $0x10, s19;
	s20 =	sadd.s32 $0x10, s20  }
0x26: {  	[tilespmem:s3], [sflag:$0x2] =	stream.linear.gather [hbm4b:s20+s3], $0x80, $0x38;
	[tilespmem:$0x17D00] =	vst v63  }
0x27: {  	p0 =	sne.s32 s18, $0x1;
	s18 =	sadd.s32 $0xFFFFFFFF, s18;
	_ =	swait.ge [sflag:s13], $0x80  }
0x28: {  	[sflag:s13] =	ssyncset.done $0x0  }
0x29: {  	[sflag:s13] =	ssyncadd.s32 $0xFFFFFF80  }
0x2a: {  	[tilespmem:s14], [sflag:$0x2] =	stream.linear.gather [hbm4b:s19+s3], $0x80, $0x38;
	[tilespmem:$0x17D00] =	vst v63  }
0x2b: {  	_ =	swait.ge [sflag:s13], $0x80  }
0x2c: {  	[sflag:s13] =	ssyncset.done $0x0  }
0x2d: {  	[sflag:s13] =	ssyncadd.s32 $0xFFFFFF80  }
0x2e: {  	[tilespmem:s15], [sflag:$0x1] =	stream.indirect.gather [hbm4b:s4+s14], $0x80, s3, s14, $0xb8;
	[tilespmem:$0x17D00] =	vst v63  }
0x2f: {  	_ =	swait.ge [sflag:s16], $0x4000  }
.Ltmp1:
0x30: {  	[sflag:s16] =	ssyncset.done $0x0;
	(pc) =	sbr.rel @p0 .LBB2_2-.Ltmp1, $4  }
0x31: {  	[sflag:s16] =	ssyncadd.s32 $0xFFFFC000  }
0x32: {  	[spmem:s2] =	stream.indirect.scatter.add.f32 [tilespmem:s15], [sflag:$0x2], $0x80, s14, s14, $0xb8;
	[tilespmem:$0x17D00] =	vst v63  }
0x33: {  	_ =	swait.ge [sflag:s13], $0x4000  }
0x34: {  	[sflag:s13] =	ssyncset.done $0x0  }
.LBB2_3:
0x35: {  	s17 =	sadd.s32 $0x1, s17  }
0x36: {  	[sflag:s13] =	ssyncadd.s32 $0xFFFFC000;
	p0 =	sne.s32 s17, s9  }
.Ltmp2:
0x37: {  	[bflag:$0x0] =	sbarrier.arrive $0xFFFF;
	(pc) =	sbr.rel @p0 .LBB2_1-.Ltmp2, $4  }
0x38: {  	[hbm:s8], [sflag:s7] =	dma.local [spmem:s12], $0x2780  }
0x39: {  	_ =	swait.ge [sflag:s13], $0x2780  }
0x3a: {  	[sflag:s13] =	ssyncset.done $0x0  }
0x3b: {  	[sflag:s13] =	ssyncadd.s32 $0xFFFFD880  }
0x3c: {  	_ =	sfence.sel $0x180000  }
0x3d: {  	[bflag:$0x0] =	sbarrier.arrive $0xFFFF  }
0x3e: {  	p0 =	sne.s32 s0, $0x0;
	_ =	strace $0x9000004D  }
0x3f: {  	s0 =	sadd.s32 @!p0 $0x100000, s1;
	[bflag:$0x2] =	sbarrier.arrive $0xFFFF  }
0x40: {  	[sflag:s0] =	ssyncadd.tile.s32 @!p0 $0x1;
	_ =	shalt  }
.Lfunc_end2:
_tile_overlayer_lowered:
.L_overlay_start_2:
0x41: {  	(tag) =	ssettag $0x2  }
0x42: {  	s0 =	rddreg [dreg:$0x0];
	s2 =	stileid.u32  }
0x43: {  	s1 =	rddreg [dreg:$0x1];
	p0 =	sne.s32 s2, $0x0  }
0x44: {  	s3 =	rddreg [dreg:$0x2];
	[bflag:$0x3] =	sbarrier.arrive $0xFFFF;
	s2 =	simm.s32 @!p0 $0x1C02  }
0x45: {  	[timem:s3], [sflag:s2] =	dma.local @!p0 [hbm:s0], s1  }
0x46: {  	s0 =	simm.s32 @!p0 $0x2  }
0x47: {  	_ =	swait.ge @!p0 [sflag:s0], s1  }
0x48: {  	s1 =	ssub.s32 @!p0 $0x0, s1;
	[sflag:s0] =	ssyncset.done @!p0 $0x0  }
0x49: {  	[sflag:s0] =	ssyncadd.s32 @!p0 s1  }
0x4a: {  	[bflag:$0x3] =	sbarrier.arrive $0xFFFF  }
0x4b: {  	_ =	shalt  }

// kernel: kernel.9.cloned.1.call-start
scs
__scs_entry_jumppad:
0x0: {  	(pc) =	sbr.rel $0x88, $3  }
0x1: {  	(tag) =	ssettag $0x0;
	lr =	simm.s32 $0x1  }
0x2: {  	[smem:$0x3F87] =	sst lr;
	_ =	strace $0xD0000000  }
0x3: {  	_ = 	snop  }
0x4: {  	_ = 	snop  }
0x5: {  	_ = 	snop  }
0x6: {  	_ = 	snop  }
0x7: {  	_ = 	snop  }
__scs_overlays_trampoline_lowered:
0x8: {  	[smem:$0x3F96] =	sst s0  }
0x9: {  	[smem:$0x3F97] =	sst s1  }
0xa: {  	[smem:$0x3F98] =	sst s2  }
0xb: {  	[smem:$0x3F99] =	sst s3  }
0xc: {  	[smem:$0x3F9A] =	sst s4  }
0xd: {  	[smem:$0x3F9B] =	sst s5  }
0xe: {  	[smem:$0x3F9C] =	sst s6  }
0xf: {  	[smem:$0x3F9D] =	sst s7  }
0x10: {  	[smem:$0x3F9E] =	sst s8  }
0x11: {  	[smem:$0x3F9F] =	sst s9;
	s0 =	simm.s32 @!p0 $0x0  }
0x12: {  	s1 =	sld [smem:$0x3F85];
	s0 =	simm.s32 @p0 $0x1  }
0x13: {  	[smem:$0x3FA0] =	sst s0;
	s0 =	simm.s32 @!p1 $0x0  }
0x14: {  	s2 =	sld [smem:$0x3F84];
	s0 =	simm.s32 @p1 $0x1  }
0x15: {  	[smem:$0x3FA1] =	sst s0;
	s0 =	simm.s32 @!p2 $0x0  }
0x16: {  	s3 =	sld [smem:$0x3FDB];
	s0 =	simm.s32 @p2 $0x1  }
0x17: {  	s4 =	simm.s32 $0x1BF5;
	[smem:$0x3FA3] =	sst s0  }
0x18: {  	s0 =	sld [smem:$0x3F86];
	_ =	swait.ge [sflag:s4], $0x0  }
0x19: {  	s7 =	sld [smem:$0x3F87]  }
0x1a: {  	s8 =	sadd.s32 $0xFFFFE003, lr  }
0x1b: {  	s9 =	sadd.s32 $0xFFFFFEF7, lr;
	s5 =	simm.s32 $0xFFFFFFFF;
	p2 =	slt.u32 s8, $0xFFFFF086  }
0x1c: {  	p1 =	slt.u32 s9, $0xF7A;
	s5 =	simm.s32 @!p2 $0x0  }
0x1d: {  	s5 =	simm.s32 @p1 $0x1;
	p0 =	seq.s32 s7, s2  }
0x1e: {  	s7 =	smul.u32 @!p0 $0xF7A, s2;
	p2 =	seq.s32 @!p0 s5, $0x0  }
0x1f: {  	s9 =	smul.u32 $0xF7A, s1;
	s8 =	simm.s32 @!p0 $0x1BF5;
	p2 =	por !p2, p0  }
0x20: {  	[sflag:s8] =	ssyncset.s32 @!p0 $0xFFFFF086;
	s6 =	sadd.s32 @!p0 s3, s7;
	s7 =	simm.s32 @!p0 $0x108  }
0x21: {  	s3 =	sadd.s32 s3, s9;
	s6 =	sadd.s32 @!p0 $0x88, s6;
	s7 =	simm.s32 @p2 $0x1082  }
0x22: {  	[simem:s7], [sflag:s8] =	dma.local @!p0 [hbm:s6], $0xF7A  }
0x23: {  	s9 =	sor.u32 $0xD0000000, s2;
	s6 =	simm.s32 $0x108;
	_ =	swait.ge @!p0 [sflag:s8], $0x0  }
0x24: {  	s3 =	sadd.s32 $0x88, s3;
	s6 =	simm.s32 @!p1 $0x1082;
	[sflag:s4] =	ssyncset.s32 $0xFFFFF086  }
0x25: {  	[simem:s6], [sflag:s4] =	dma.local [hbm:s3], $0xF7A  }
0x26: {  	[smem:$0x3F87] =	sst s1;
	(tag) =	ssettag s2;
	_ =	strace s9  }
0x27: {  	s1 =	sld [smem:$0x3F97]  }
0x28: {  	s2 =	sld [smem:$0x3F98]  }
0x29: {  	s4 =	sld [smem:$0x3F9A]  }
0x2a: {  	p0 =	seq.s32 s5, $0x0;
	s5 =	sld [smem:$0x3F9B]  }
0x2b: {  	s6 =	sld [smem:$0x3F9C]  }
0x2c: {  	s7 =	sld [smem:$0x3F9D]  }
0x2d: {  	s3 =	simm.s32 $0x108;
	s8 =	sld [smem:$0x3F9E]  }
0x2e: {  	s3 =	simm.s32 @!p0 $0x1082;
	s9 =	sld [smem:$0x3F9F]  }
0x2f: {  	lr =	sadd.s32 s0, s3;
	s0 =	sld [smem:$0x3F96]  }
0x30: {  	s3 =	sld [smem:$0x3F99]  }
0x31: {  	[smem:$0x3FA2] =	sst s10  }
0x32: {  	s10 =	sld [smem:$0x3FA0];
	_ =	sdelay $0x3  }
0x33: {  	p0 =	seq.s32 s10, $0x1;
	s10 =	sld [smem:$0x3FA2];
	_ =	sdelay $0x3  }
0x34: {  	[smem:$0x3FA2] =	sst s10  }
0x35: {  	s10 =	sld [smem:$0x3FA1];
	_ =	sdelay $0x3  }
0x36: {  	p1 =	seq.s32 s10, $0x1;
	s10 =	sld [smem:$0x3FA2];
	_ =	sdelay $0x3  }
0x37: {  	[smem:$0x3FA2] =	sst s10  }
0x38: {  	s10 =	sld [smem:$0x3FA3]  }
0x39: {  	_ = 	snop;
	(pc) =	sbr.ind lr, $3  }
0x3a: {  	_ = 	snop  }
0x3b: {  	_ = 	snop  }
0x3c: {  	p2 =	seq.s32 s10, $0x1;
	s10 =	sld [smem:$0x3FA2]  }
0x3d: {  	_ =	shalt  }
0x3e: {  	_ =	shalt  }
0x3f: {  	_ =	shalt  }
0x40: {  	_ =	shalt  }
0x41: {  	_ =	shalt  }
0x42: {  	_ =	shalt  }
0x43: {  	_ =	shalt  }
0x44: {  	_ =	shalt  }
0x45: {  	_ =	shalt  }
0x46: {  	_ =	shalt  }
0x47: {  	_ =	shalt  }
0x48: {  	_ =	shalt  }
0x49: {  	_ =	shalt  }
0x4a: {  	_ =	shalt  }
0x4b: {  	_ =	shalt  }
0x4c: {  	_ =	shalt  }
0x4d: {  	_ =	shalt  }
0x4e: {  	_ =	shalt  }
0x4f: {  	_ =	shalt  }
0x50: {  	_ =	shalt  }
0x51: {  	_ =	shalt  }
0x52: {  	_ =	shalt  }
0x53: {  	_ =	shalt  }
0x54: {  	_ =	shalt  }
0x55: {  	_ =	shalt  }
0x56: {  	_ =	shalt  }
0x57: {  	_ =	shalt  }
0x58: {  	_ =	shalt  }
0x59: {  	_ =	shalt  }
0x5a: {  	_ =	shalt  }
0x5b: {  	_ =	shalt  }
0x5c: {  	_ =	shalt  }
0x5d: {  	_ =	shalt  }
0x5e: {  	_ =	shalt  }
0x5f: {  	_ =	shalt  }
0x60: {  	_ =	shalt  }
0x61: {  	_ =	shalt  }
0x62: {  	_ =	shalt  }
0x63: {  	_ =	shalt  }
0x64: {  	_ =	shalt  }
0x65: {  	_ =	shalt  }
0x66: {  	_ =	shalt  }
0x67: {  	_ =	shalt  }
0x68: {  	_ =	shalt  }
0x69: {  	_ =	shalt  }
0x6a: {  	_ =	shalt  }
0x6b: {  	_ =	shalt  }
0x6c: {  	_ =	shalt  }
0x6d: {  	_ =	shalt  }
0x6e: {  	_ =	shalt  }
0x6f: {  	_ =	shalt  }
0x70: {  	_ =	shalt  }
0x71: {  	_ =	shalt  }
0x72: {  	_ =	shalt  }
0x73: {  	_ =	shalt  }
0x74: {  	_ =	shalt  }
0x75: {  	_ =	shalt  }
0x76: {  	_ =	shalt  }
0x77: {  	_ =	shalt  }
0x78: {  	_ =	shalt  }
0x79: {  	_ =	shalt  }
0x7a: {  	_ =	shalt  }
0x7b: {  	_ =	shalt  }
0x7c: {  	_ =	shalt  }
0x7d: {  	_ =	shalt  }
0x7e: {  	_ =	shalt  }
0x7f: {  	_ =	shalt  }
0x80: {  	_ =	shalt  }
0x81: {  	_ =	shalt  }
0x82: {  	_ =	shalt  }
0x83: {  	_ =	shalt  }
0x84: {  	_ =	shalt  }
0x85: {  	_ =	shalt  }
0x86: {  	_ =	shalt  }
0x87: {  	_ =	shalt  }
.Lfunc_end0:
.L_simem_size_0:
called_computation_lowered:
.L_overlay_start_0:
0x88: {  	s2 =	sld [smem:$0x3FD9]  }
0x89: {  	s3 =	sld [smem:$0x3FFE];
	_ =	sdelay $0x1  }
0x8a: {  	s1 =	srdreg.scid  }
0x8b: {  	s0 =	sand.u32 $0x1, s1  }
0x8c: {  	s16 =	sshll.u32 s0, $0xA;
	s2 =	sadd.s32 s3, s2  }
0x8d: {  	s2 =	sadd.s32 s2, s16  }
0x8e: {  	[smem:$0x3FAE] =	sst s2  }
0x8f: {  	_ = 	snop  }
0x90: {  	(tm) =	ssettm $0x1  }
0x91: {  	s17 =	sld [smem:$0x3FFB];
	_ =	sdelay $0x3  }
0x92: {  	_ =	strace s17  }
0x93: {  	s2 =	sld [smem:$0x3FFC];
	_ =	sdelay $0x3  }
0x94: {  	_ =	strace s2  }
0x95: {  	s2 =	sld [smem:$0x3FFD];
	_ =	sdelay $0x3  }
0x96: {  	_ =	strace s2  }
0x97: {  	_ =	strace $0x8FFFFFFF  }
0x98: {  	s18 =	sld [smem:$0x3FDB];
	_ =	sdelay $0x1  }
0x99: {  	s19 =	simm.s32 $_scs_section_size  }
0x9a: {  	s4 =	simm.s32 $_size__tile_overlayer_lowered;
	s5 =	simm.s32 $_tile_overlayer_lowered  }
0x9b: {  	s22 =	simm.s32 $0x1BFF;
	s21 =	sshll.u32 s5, $0x1;
	s2 =	sadd.s32 s19, s18  }
0x9c: {  	s6 =	simm.s32 $0x0;
	s20 =	sshll.u32 s4, $0x1;
	s4 =	sadd.s32 s21, s2  }
0x9d: {  	[timem:s6], [sflag:s22] =	dma.local [hbm:s4], s20  }
0x9e: {  	_ =	swait.ge [sflag:s22], s20  }
0x9f: {  	s3 =	ssub.s32 $0x0, s20;
	[sflag:s22] =	ssyncset.done $0x0  }
0xa0: {  	[sflag:s22] =	ssyncadd.s32 s3;
	_ =	sdelay $0x1  }
0xa1: {  	s23 =	simm.s32 $0x1B8B  }
0xa2: {  	_ =	swait.ge [sflag:s23], $0x1  }
0xa3: {  	[sflag:s23] =	ssyncset.done $0x0  }
0xa4: {  	s25 =	simm.s32 $0x1B8E;
	s24 =	sld [smem:$0x3FFE];
	[sflag:s23] =	ssyncadd.s32 $0xFFFFFFFF  }
0xa5: {  	s26 =	simm.s32 $execute0_lowered;
	[smem:$0x3FD2] =	sst s25  }
0xa6: {  	s4 =	sshll.u32 s26, $0x1;
	_ =	strace $0x80000046;
	[dreg:$0x1] =	wrdreg $0xFFFFFFFF  }
0xa7: {  	s28 =	simm.s32 $_size_execute0_lowered;
	s2 =	sadd.s32 s2, s4;
	[dreg:$0x0] =	wrdreg $0x0  }
0xa8: {  	s4 =	sshll.u32 s28, $0x1;
	[dreg:$0x2] =	wrdreg s2  }
0xa9: {  	[dreg:$0x3] =	wrdreg s4  }
0xaa: {  	[dreg:$0x4] =	wrdreg $0xC0  }
0xab: {  	_ =	task [dreg:s6], $0x5FFFF  }
0xac: {  	[dreg:$0x1] =	wrdreg $0xFFFFFFFF  }
0xad: {  	[dreg:$0x0] =	wrdreg $0x60  }
0xae: {  	[dreg:$0x2] =	wrdreg s24  }
0xaf: {  	[dreg:$0x3] =	wrdreg $0x40800  }
0xb0: {  	[dreg:$0x4] =	wrdreg $0x9  }
0xb1: {  	_ =	task.clear_ibuf [dreg:s6], $0x5FFFF;
	_ =	strace $0x90000046  }
0xb2: {  	s29 =	simm.s32 $0x9;
	_ =	strace $0x80000048  }
0xb3: {  	_ =	swait.ge [sflag:s29], $0x1  }
0xb4: {  	[sflag:s29] =	ssyncadd.s32 $0xFFFFFFFF  }
0xb5: {  	_ =	strace $0x90000048  }
0xb6: {  	_ =	sfence  }
0xb7: {  	s30 =	sld [smem:$0x0];
	_ =	sdelay $0x2  }
0xb8: {  	s31 =	sshll.u32 s1, $0xD;
	s1 =	sshrl.u32 s1, $0x2  }
0xb9: {  	s3 =	sand.u32 $0x4000, s31;
	s1 =	sadd.s32 s1, s30  }
0xba: {  	s0 =	sor.u32 s3, s0;
	s1 =	sshll.u32 s1, $0x11  }
0xbb: {  	s0 =	sor.u32 s1, s0  }
0xbc: {  	s0 =	sadd.s32 $0x8F2B, s0  }
0xbd: {  	[sflag:s0] =	ssyncadd.remote.s32 $0x1  }
0xbe: {  	_ =	sfence.sel $0xFFFF  }
0xbf: {  	[dreg:$0x0] =	wrdreg $0xFFFFFFFF;
	(pc) =	sbr.abs _section_cstart, $3  }
0xc0: {  	[dreg:$0x1] =	wrdreg $0xFFFFFFFF  }
0xc1: {  	_ =	task.clear_ibuf [dreg:s6], $0x2FFFF;
	_ =	strace $0x9FFFFFFF  }
0xc2: {  	(tm) =	ssettm $0x7FFFFFFF  }
0xc3: {  	_ =	shalt  }
tec
execute0_lowered:
.L_overlay_start_1:
0x0: {  	(tag) =	ssettag $0x1  }
0x1: {  	s6 =	rddreg [dreg:$0x0];
	s0 =	stileid.u32  }
0x2: {  	s1 =	srdreg.scid;
	s3 =	smul.u32 $0x3E, s0  }
0x3: {  	s2 =	rddreg [dreg:$0x1];
	s14 =	simm.s32 $0x0;
	s4 =	smul.u32 $0x60, s0  }
0x4: {  	s5 =	sand.u32 $0x1, s1;
	s1 =	rddreg [dreg:$0x2];
	s28 =	smul.u32 $0x13C00, s0  }
0x5: {  	s9 =	smul.u32 $0x4F000, s0;
	s31 =	sshll.u32 s0, $0x6;
	p0 =	seq.s32 s5, $0x0  }
0x6: {  	s8 =	smul.u32 $0x13C000, s5;
	s29 =	ssub.s32 $0x2, s5;
	s5 =	sadd.s32 $0xFA00, s6  }
0x7: {  	s7 =	sadd.s32 $0x600, s3;
	s3 =	simm.s32 $0x0;
	s11 =	sshrl.u32 s29, $0x1  }
0x8: {  	s30 =	sshrl.u32 s9, $0x2;
	s7 =	smov.u32 @p0 s4;
	[smem:$0x7FF] =	sst s3  }
0x9: {  	s11 =	ssub.s32 s29, s11;
	s13 =	sadd.s32 s30, s2;
	s4 =	sshll.u32 s7, $0x4  }
0xa: {  	_ =	strace $0x80000047;
	s7 =	sadd.s32 s28, s8;
	s9 =	smax.u32 s11, $0x1  }
0xb: {  	s11 =	sshrl.u32 s13, $0x3;
	s13 =	simm.s32 $0x80;
	s7 =	sshrl.u32 s7, $0x3  }
0xc: {  	s10 =	sadd.s32 s4, s6;
	s4 =	sadd.s32 $0x12200, s6;
	s12 =	sadd.s32 s7, s6  }
0xd: {  	s6 =	simm.s32 $0x60;
	s7 =	sor.u32 $0x1C01, s31;
	s10 =	sadd.s32 $0x5C00, s10  }
0xe: {  	s6 =	simm.s32 @!p0 $0x3E;
	s8 =	sadd.s32 $0x12A00, s12;
	s12 =	simm.s32 $0x1  }
.LBB2_1:
0xf: {  	[spmem:s11], [sflag:s7] =	dma.local [hbm:s5], $0x2780  }
0x10: {  	_ =	swait.ge [sflag:s12], $0x2780  }
0x11: {  	[sflag:s12] =	ssyncset.done $0x0  }
0x12: {  	[sflag:s12] =	ssyncadd.s32 $0xFFFFD880  }
0x13: {  	[tilespmem:s13], [sflag:$0x1] =	stream.linear.gather [hbm4b:s4+s3], $0x4000, $0x38;
	[tilespmem:$0x5440] =	vst v63  }
0x14: {  	_ =	swait.ge [sflag:s12], $0x4000  }
0x15: {  	[sflag:s12] =	ssyncset.done $0x0  }
0x16: {  	[sflag:s12] =	ssyncadd.s32 $0xFFFFC000  }
0x17: {  	[bflag:$0x0] =	sbarrier.arrive $0xFFFF  }
0x18: {  	[tilespmem:s3], [sflag:$0x1] =	stream.linear.gather [hbm4b:s10+s3], $0x80, $0x38;
	[tilespmem:$0x5440] =	vst v63  }
0x19: {  	p0 =	sne.s32 s6, $0x1;
	_ =	swait.ge [sflag:s12], $0x80  }
.Ltmp0:
0x1a: {  	[sflag:s12] =	ssyncset.done $0x0;
	(pc) =	sbr.rel @!p0 .LBB2_3-.Ltmp0, $4  }
0x1b: {  	[sflag:s12] =	ssyncadd.s32 $0xFFFFFF80  }
0x1c: {  	[spmem:s2] =	stream.indirect.scatter.add.f32 [tilespmem:s13], [sflag:$0x1], $0x8, s3, s13, $0xb8;
	[tilespmem:$0x5440] =	vst v63  }
0x1d: {  	_ =	swait.ge [sflag:s12], $0x400  }
0x1e: {  	s15 =	sadd.s32 $0xFFFFFFFF, s6;
	s16 =	smov.u32 s10;
	[sflag:s12] =	ssyncset.done $0x0  }
.LBB2_2:
0x1f: {  	p0 =	sne.s32 s15, $0x1;
	[sflag:s12] =	ssyncadd.s32 $0xFFFFFC00;
	s16 =	sadd.s32 $0x10, s16  }
0x20: {  	[tilespmem:s3], [sflag:$0x1] =	stream.linear.gather [hbm4b:s16+s3], $0x80, $0x38;
	[tilespmem:$0x5440] =	vst v63  }
0x21: {  	s15 =	sadd.s32 $0xFFFFFFFF, s15;
	_ =	swait.ge [sflag:s12], $0x80  }
.Ltmp1:
0x22: {  	[sflag:s12] =	ssyncset.done $0x0;
	(pc) =	sbr.rel @p0 .LBB2_2-.Ltmp1, $4  }
0x23: {  	[sflag:s12] =	ssyncadd.s32 $0xFFFFFF80  }
0x24: {  	[spmem:s2] =	stream.indirect.scatter.add.f32 [tilespmem:s13], [sflag:$0x1], $0x8, s3, s13, $0xb8;
	[tilespmem:$0x5440] =	vst v63  }
0x25: {  	_ =	swait.ge [sflag:s12], $0x400  }
0x26: {  	[sflag:s12] =	ssyncset.done $0x0  }
.LBB2_3:
0x27: {  	s14 =	sadd.s32 $0x1, s14  }
0x28: {  	[sflag:s12] =	ssyncadd.s32 $0xFFFFFC00;
	p0 =	sne.s32 s14, s9  }
.Ltmp2:
0x29: {  	[bflag:$0x0] =	sbarrier.arrive $0xFFFF;
	(pc) =	sbr.rel @p0 .LBB2_1-.Ltmp2, $4  }
0x2a: {  	[hbm:s8], [sflag:s7] =	dma.local [spmem:s11], $0x2780  }
0x2b: {  	_ =	swait.ge [sflag:s12], $0x2780  }
0x2c: {  	[sflag:s12] =	ssyncset.done $0x0  }
0x2d: {  	[sflag:s12] =	ssyncadd.s32 $0xFFFFD880  }
0x2e: {  	_ =	sfence.sel $0x180000  }
0x2f: {  	[bflag:$0x0] =	sbarrier.arrive $0xFFFF  }
0x30: {  	p0 =	sne.s32 s0, $0x0;
	_ =	strace $0x90000047  }
0x31: {  	s0 =	sadd.s32 @!p0 $0x100000, s1;
	[bflag:$0x2] =	sbarrier.arrive $0xFFFF  }
0x32: {  	[sflag:s0] =	ssyncadd.tile.s32 @!p0 $0x1;
	_ =	shalt  }
.Lfunc_end2:
_tile_overlayer_lowered:
.L_overlay_start_2:
0x33: {  	(tag) =	ssettag $0x2  }
0x34: {  	s0 =	rddreg [dreg:$0x0];
	s2 =	stileid.u32  }
0x35: {  	s1 =	rddreg [dreg:$0x1];
	p0 =	sne.s32 s2, $0x0  }
0x36: {  	s3 =	rddreg [dreg:$0x2];
	[bflag:$0x3] =	sbarrier.arrive $0xFFFF;
	s2 =	simm.s32 @!p0 $0x1C01  }
0x37: {  	[timem:s3], [sflag:s2] =	dma.local @!p0 [hbm:s0], s1  }
0x38: {  	s0 =	simm.s32 @!p0 $0x1  }
0x39: {  	_ =	swait.ge @!p0 [sflag:s0], s1  }
0x3a: {  	s1 =	ssub.s32 @!p0 $0x0, s1;
	[sflag:s0] =	ssyncset.done @!p0 $0x0  }
0x3b: {  	[sflag:s0] =	ssyncadd.s32 @!p0 s1  }
0x3c: {  	[bflag:$0x3] =	sbarrier.arrive $0xFFFF  }
0x3d: {  	_ =	shalt  }

</sc_bundles>
